<compile_context>
chip_gen: v7x
topology: tpu7x:2x2x1
jax: 0.10.2.dev20260603
libtpu: 0.0.44.dev20260713+nightly
codegen_flags: <defaults>
</compile_context>

<pallas_src>
import dataclasses
import functools

import jax
import jax.numpy as jnp
from jax import lax
from jax.experimental import pallas as pl
from jax.experimental.pallas import tpu as pltpu
from jax.experimental.pallas import tpu_sc as plsc

NC = 2
NS = 16
NW = NC * NS
L = 16


@functools.partial(jax.jit, static_argnames=())
def kernel(user, rsid, user_table, rsid_table):
    B = user.shape[0]
    D = user_table.shape[1]
    b_per_w = B // NW
    C = 128
    mesh = plsc.VectorSubcoreMesh(core_axis_name="c", subcore_axis_name="s")

    n_chunks = b_per_w // C

    def body(user_hbm, rsid_hbm, ut_hbm, rt_hbm, out_hbm,
             uidx, ridx, urows0, vrows0, urows1, vrows1, outv, partials,
             sem_u0, sem_v0, sem_u1, sem_v1):
        wid = lax.axis_index("s") * NC + lax.axis_index("c")
        base = wid * b_per_w
        rest = b_per_w - C
        ci0 = pltpu.async_copy(
            user_hbm.at[pl.ds(base, C)], uidx.at[pl.ds(0, C)], sem_u0)
        cj0 = pltpu.async_copy(
            rsid_hbm.at[pl.ds(base, C)], ridx.at[pl.ds(0, C)], sem_v0)
        ci1 = pltpu.async_copy(
            user_hbm.at[pl.ds(base + C, rest)], uidx.at[pl.ds(C, rest)], sem_u1)
        cj1 = pltpu.async_copy(
            rsid_hbm.at[pl.ds(base + C, rest)], ridx.at[pl.ds(C, rest)], sem_v1)

        ubuf = (urows0, urows1)
        vbuf = (vrows0, vrows1)
        sems = ((sem_u0, sem_v0), (sem_u1, sem_v1))

        def issue(i, k):
            cu = pltpu.async_copy(
                ut_hbm.at[uidx.at[pl.ds(i * C, C)]], ubuf[k], sems[k][0])
            cv = pltpu.async_copy(
                rt_hbm.at[ridx.at[pl.ds(i * C, C)]], vbuf[k], sems[k][1])
            return cu, cv

        def _tree_sum(vals):
            while len(vals) > 1:
                vals = [a + b for a, b in zip(vals[::2], vals[1::2])]
            return vals[0]

        def compute(c0, ur, vr):
            @plsc.parallel_loop(0, C, unroll=1)
            def _row(r):
                ms = [ur[r, pl.ds(j * L, L)] * vr[r, pl.ds(j * L, L)]
                      for j in range(D // L)]
                partials[pl.ds(r * 17, L)] = _tree_sum(ms)

            @plsc.parallel_loop(0, C, step=L, unroll=1)
            def _grp(r0):
                idx0 = (lax.iota(jnp.int32, L) + r0) * 17
                vals = [plsc.load_gather(partials, [idx0 + l])
                        for l in range(L)]
                outv[pl.ds(c0 + r0, L)] = _tree_sum(vals)

        def issue_dyn(i, k):
            off = jnp.minimum(i, n_chunks - 1) * C
            cu = pltpu.async_copy(
                ut_hbm.at[uidx.at[pl.ds(off, C)]], ubuf[k], sems[k][0])
            cv = pltpu.async_copy(
                rt_hbm.at[ridx.at[pl.ds(off, C)]], vbuf[k], sems[k][1])
            return cu, cv

        ci0.wait()
        cj0.wait()
        first = issue(0, 0)
        ci1.wait()
        cj1.wait()
        first[0].wait()
        first[1].wait()

        @pl.loop(0, n_chunks, step=2)
        def _pair(i):
            nxt = issue_dyn(i + 1, 1)
            compute(i * C, ubuf[0], vbuf[0])
            nxt[0].wait()
            nxt[1].wait()
            nxt2 = issue_dyn(i + 2, 0)
            compute((i + 1) * C, ubuf[1], vbuf[1])
            nxt2[0].wait()
            nxt2[1].wait()

        pltpu.sync_copy(outv, out_hbm.at[pl.ds(base, b_per_w)])

    cp = pltpu.CompilerParams()
    if "needs_layout_passes" in pltpu.CompilerParams.__dataclass_fields__:
        cp = dataclasses.replace(cp, needs_layout_passes=False)

    kern = pl.kernel(
        body,
        out_type=jax.ShapeDtypeStruct((B,), jnp.float32),
        mesh=mesh,
        compiler_params=cp,
        scratch_types=[
            pltpu.VMEM((b_per_w,), jnp.int32),
            pltpu.VMEM((b_per_w,), jnp.int32),
            pltpu.VMEM((C, D), jnp.float32),
            pltpu.VMEM((C, D), jnp.float32),
            pltpu.VMEM((C, D), jnp.float32),
            pltpu.VMEM((C, D), jnp.float32),
            pltpu.VMEM((b_per_w,), jnp.float32),
            pltpu.VMEM((C * 17,), jnp.float32),
            pltpu.SemaphoreType.DMA,
            pltpu.SemaphoreType.DMA,
            pltpu.SemaphoreType.DMA,
            pltpu.SemaphoreType.DMA,
        ],
    )
    return kern(user.astype(jnp.int32), rsid.astype(jnp.int32),
                user_table, rsid_table)

# --- scband reference (transcript-rebuilt; emitter-appended) ---
"""Pipeline reference for scband-matrix-factorization-model-27315992003044 (READ-ONLY COPY).

The authoritative reference and input builder live on the scoring server;
editing this copy changes nothing except your own understanding.
"""

import jax, jax.numpy as jnp
import numpy as np

NUM_USERS = 1000000
NUM_RSIDS = 100000
NUM_FEATURES = 128
BATCH = 16384

def setup_inputs(seed: int = 0) -> dict:
    key = jax.random.key(seed)
    k1, k2, k3, k4 = jax.random.split(key, 4)
    user = jax.random.randint(k1, (BATCH,), 0, NUM_USERS, dtype=jnp.int64 if jax.config.jax_enable_x64 else jnp.int32)
    rsid = jax.random.randint(k2, (BATCH,), 0, NUM_RSIDS, dtype=jnp.int64 if jax.config.jax_enable_x64 else jnp.int32)
    user_table = jax.random.normal(k3, (NUM_USERS, NUM_FEATURES), dtype=jnp.float32)
    rsid_table = jax.random.normal(k4, (NUM_RSIDS, NUM_FEATURES), dtype=jnp.float32)
    return {"user": user, "rsid": rsid, "user_table": user_table, "rsid_table": rsid_table}

def reference(user, rsid, user_table, rsid_table):
    user_embedding = jnp.take(user_table, user, axis=0)
    rsid_embedding = jnp.take(rsid_table, rsid, axis=0)
    return (user_embedding * rsid_embedding).sum(axis=1)

if __name__ == "__main__":
    import jax
    _d = setup_inputs()
    print(jax.jit(kernel)(*tuple(_d.values())))

</pallas_src>

<mosaic_0001>
#map = affine_map<(d0, d1) -> (0)>
#map1 = affine_map<(d0, d1) -> (0, 0)>
module attributes {stable_mosaic.version = 14 : i64} {
  func.func @body(%arg0: i32, %arg1: i32, %arg2: memref<16384xi32, #tpu.memory_space<hbm>>, %arg3: memref<16384xi32, #tpu.memory_space<hbm>>, %arg4: memref<1000000x128xf32, #tpu.memory_space<hbm>>, %arg5: memref<100000x128xf32, #tpu.memory_space<hbm>>, %arg6: memref<16384xf32, #tpu.memory_space<hbm>>, %arg7: memref<512xi32, #tpu.memory_space<vmem>>, %arg8: memref<512xi32, #tpu.memory_space<vmem>>, %arg9: memref<128x128xf32, #tpu.memory_space<vmem>>, %arg10: memref<128x128xf32, #tpu.memory_space<vmem>>, %arg11: memref<128x128xf32, #tpu.memory_space<vmem>>, %arg12: memref<128x128xf32, #tpu.memory_space<vmem>>, %arg13: memref<512xf32, #tpu.memory_space<vmem>>, %arg14: memref<2176xf32, #tpu.memory_space<vmem>>, %arg15: memref<!tpu.dma_semaphore, #tpu.memory_space<semaphore_mem>>, %arg16: memref<!tpu.dma_semaphore, #tpu.memory_space<semaphore_mem>>, %arg17: memref<!tpu.dma_semaphore, #tpu.memory_space<semaphore_mem>>, %arg18: memref<!tpu.dma_semaphore, #tpu.memory_space<semaphore_mem>>) attributes {dimension_semantics = [#tpu.dimension_semantics<core_parallel>, #tpu.dimension_semantics<subcore_parallel>], iteration_bounds = array<i64: 2, 16>, scalar_prefetch = 0 : i64, scratch_operands = 12 : i64, tpu.core_type = #tpu.core_type<sc_vector_subcore>, window_params = [{transform_indices = #map}, {transform_indices = #map}, {transform_indices = #map1}, {transform_indices = #map1}, {transform_indices = #map}]} {
    %mul3A = arith.constant 2 : i32
    %mul3A_0 = arith.muli %arg1, %mul3A : i32
    %add3A = arith.addi %mul3A_0, %arg0 : i32
    %mul3A_1 = arith.constant 512 : i32
    %mul3A_2 = arith.muli %add3A, %mul3A_1 : i32
    %dma_start3A = arith.constant 0 : i32
    %dma_start3A_3 = tpu.memref_slice %arg7[%dma_start3A] : memref<512xi32, #tpu.memory_space<vmem>> -> memref<128xi32, #tpu.memory_space<vmem>>
    %dma_start3A_4 = tpu.memref_slice %arg2[%mul3A_2] : memref<16384xi32, #tpu.memory_space<hbm>> -> memref<128xi32, #tpu.memory_space<hbm>>
    %dma_start3A_5 = arith.constant 0 : i32
    %dma_start3A_6 = tpu.memref_slice %arg7[%dma_start3A_5] : memref<512xi32, #tpu.memory_space<vmem>> -> memref<128xi32, #tpu.memory_space<vmem>>
    %dma_start3A_7 = tpu.memref_slice %arg2[%mul3A_2] : memref<16384xi32, #tpu.memory_space<hbm>> -> memref<128xi32, #tpu.memory_space<hbm>>
    tpu.enqueue_dma source(%dma_start3A_7 : memref<128xi32, #tpu.memory_space<hbm>>) target(%dma_start3A_6 : memref<128xi32, #tpu.memory_space<vmem>>) target_semaphore(%arg15 : memref<!tpu.dma_semaphore, #tpu.memory_space<semaphore_mem>>)
    %dma_start3A_8 = arith.constant 0 : i32
    %dma_start3A_9 = tpu.memref_slice %arg8[%dma_start3A_8] : memref<512xi32, #tpu.memory_space<vmem>> -> memref<128xi32, #tpu.memory_space<vmem>>
    %dma_start3A_10 = tpu.memref_slice %arg3[%mul3A_2] : memref<16384xi32, #tpu.memory_space<hbm>> -> memref<128xi32, #tpu.memory_space<hbm>>
    %dma_start3A_11 = arith.constant 0 : i32
    %dma_start3A_12 = tpu.memref_slice %arg8[%dma_start3A_11] : memref<512xi32, #tpu.memory_space<vmem>> -> memref<128xi32, #tpu.memory_space<vmem>>
    %dma_start3A_13 = tpu.memref_slice %arg3[%mul3A_2] : memref<16384xi32, #tpu.memory_space<hbm>> -> memref<128xi32, #tpu.memory_space<hbm>>
    tpu.enqueue_dma source(%dma_start3A_13 : memref<128xi32, #tpu.memory_space<hbm>>) target(%dma_start3A_12 : memref<128xi32, #tpu.memory_space<vmem>>) target_semaphore(%arg16 : memref<!tpu.dma_semaphore, #tpu.memory_space<semaphore_mem>>)
    %add3A_14 = arith.constant 128 : i32
    %add3A_15 = arith.addi %mul3A_2, %add3A_14 : i32
    %dma_start3A_16 = arith.constant 128 : i32
    %dma_start3A_17 = tpu.memref_slice %arg7[%dma_start3A_16] : memref<512xi32, #tpu.memory_space<vmem>> -> memref<384xi32, #tpu.memory_space<vmem>>
    %dma_start3A_18 = tpu.memref_slice %arg2[%add3A_15] : memref<16384xi32, #tpu.memory_space<hbm>> -> memref<384xi32, #tpu.memory_space<hbm>>
    %dma_start3A_19 = arith.constant 128 : i32
    %dma_start3A_20 = tpu.memref_slice %arg7[%dma_start3A_19] : memref<512xi32, #tpu.memory_space<vmem>> -> memref<384xi32, #tpu.memory_space<vmem>>
    %dma_start3A_21 = tpu.memref_slice %arg2[%add3A_15] : memref<16384xi32, #tpu.memory_space<hbm>> -> memref<384xi32, #tpu.memory_space<hbm>>
    tpu.enqueue_dma source(%dma_start3A_21 : memref<384xi32, #tpu.memory_space<hbm>>) target(%dma_start3A_20 : memref<384xi32, #tpu.memory_space<vmem>>) target_semaphore(%arg17 : memref<!tpu.dma_semaphore, #tpu.memory_space<semaphore_mem>>)
    %add3A_22 = arith.constant 128 : i32
    %add3A_23 = arith.addi %mul3A_2, %add3A_22 : i32
    %dma_start3A_24 = arith.constant 128 : i32
    %dma_start3A_25 = tpu.memref_slice %arg8[%dma_start3A_24] : memref<512xi32, #tpu.memory_space<vmem>> -> memref<384xi32, #tpu.memory_space<vmem>>
    %dma_start3A_26 = tpu.memref_slice %arg3[%add3A_23] : memref<16384xi32, #tpu.memory_space<hbm>> -> memref<384xi32, #tpu.memory_space<hbm>>
    %dma_start3A_27 = arith.constant 128 : i32
    %dma_start3A_28 = tpu.memref_slice %arg8[%dma_start3A_27] : memref<512xi32, #tpu.memory_space<vmem>> -> memref<384xi32, #tpu.memory_space<vmem>>
    %dma_start3A_29 = tpu.memref_slice %arg3[%add3A_23] : memref<16384xi32, #tpu.memory_space<hbm>> -> memref<384xi32, #tpu.memory_space<hbm>>
    tpu.enqueue_dma source(%dma_start3A_29 : memref<384xi32, #tpu.memory_space<hbm>>) target(%dma_start3A_28 : memref<384xi32, #tpu.memory_space<vmem>>) target_semaphore(%arg18 : memref<!tpu.dma_semaphore, #tpu.memory_space<semaphore_mem>>)
    %dma_wait3A = arith.constant 0 : i32
    %dma_wait3A_30 = tpu.memref_slice %arg7[%dma_wait3A] : memref<512xi32, #tpu.memory_space<vmem>> -> memref<128xi32, #tpu.memory_space<vmem>>
    %dma_wait3A_31 = tpu.memref_slice %arg2[%mul3A_2] : memref<16384xi32, #tpu.memory_space<hbm>> -> memref<128xi32, #tpu.memory_space<hbm>>
    %dma_wait3A_32 = arith.constant 0 : i32
    %dma_wait3A_33 = tpu.memref_slice %arg7[%dma_wait3A_32] : memref<512xi32, #tpu.memory_space<vmem>> -> memref<128xi32, #tpu.memory_space<vmem>>
    %dma_wait3A_34 = tpu.memref_slice %arg2[%mul3A_2] : memref<16384xi32, #tpu.memory_space<hbm>> -> memref<128xi32, #tpu.memory_space<hbm>>
    tpu.wait_dma2 semaphore(%arg15 : memref<!tpu.dma_semaphore, #tpu.memory_space<semaphore_mem>>) src(%dma_wait3A_34 : memref<128xi32, #tpu.memory_space<hbm>>) dst(%dma_wait3A_33 : memref<128xi32, #tpu.memory_space<vmem>>)
    %dma_wait3A_35 = arith.constant 0 : i32
    %dma_wait3A_36 = tpu.memref_slice %arg8[%dma_wait3A_35] : memref<512xi32, #tpu.memory_space<vmem>> -> memref<128xi32, #tpu.memory_space<vmem>>
    %dma_wait3A_37 = tpu.memref_slice %arg3[%mul3A_2] : memref<16384xi32, #tpu.memory_space<hbm>> -> memref<128xi32, #tpu.memory_space<hbm>>
    %dma_wait3A_38 = arith.constant 0 : i32
    %dma_wait3A_39 = tpu.memref_slice %arg8[%dma_wait3A_38] : memref<512xi32, #tpu.memory_space<vmem>> -> memref<128xi32, #tpu.memory_space<vmem>>
    %dma_wait3A_40 = tpu.memref_slice %arg3[%mul3A_2] : memref<16384xi32, #tpu.memory_space<hbm>> -> memref<128xi32, #tpu.memory_space<hbm>>
    tpu.wait_dma2 semaphore(%arg16 : memref<!tpu.dma_semaphore, #tpu.memory_space<semaphore_mem>>) src(%dma_wait3A_40 : memref<128xi32, #tpu.memory_space<hbm>>) dst(%dma_wait3A_39 : memref<128xi32, #tpu.memory_space<vmem>>)
    %dma_start3A_41 = arith.constant 0 : i32
    %dma_start3A_42 = tpu.memref_slice %arg7[%dma_start3A_41] : memref<512xi32, #tpu.memory_space<vmem>> -> memref<128xi32, #tpu.memory_space<vmem>>
    %dma_start3A_43 = arith.constant 0 : i32
    %dma_start3A_44 = arith.constant 0 : i32
    %dma_start3A_45 = tpu.memref_slice %arg4[%dma_start3A_43, %dma_start3A_44] : memref<1000000x128xf32, #tpu.memory_space<hbm>> -> memref<1000000x128xf32, #tpu.memory_space<hbm>>
    tpu.enqueue_indirect_dma source(%dma_start3A_45 : memref<1000000x128xf32, #tpu.memory_space<hbm>>) target(%arg9 : memref<128x128xf32, #tpu.memory_space<vmem>>) offsets(%dma_start3A_42 : memref<128xi32, #tpu.memory_space<vmem>>) semaphore(%arg15 : memref<!tpu.dma_semaphore, #tpu.memory_space<semaphore_mem>>)
    %dma_start3A_46 = arith.constant 0 : i32
    %dma_start3A_47 = tpu.memref_slice %arg8[%dma_start3A_46] : memref<512xi32, #tpu.memory_space<vmem>> -> memref<128xi32, #tpu.memory_space<vmem>>
    %dma_start3A_48 = arith.constant 0 : i32
    %dma_start3A_49 = arith.constant 0 : i32
    %dma_start3A_50 = tpu.memref_slice %arg5[%dma_start3A_48, %dma_start3A_49] : memref<100000x128xf32, #tpu.memory_space<hbm>> -> memref<100000x128xf32, #tpu.memory_space<hbm>>
    tpu.enqueue_indirect_dma source(%dma_start3A_50 : memref<100000x128xf32, #tpu.memory_space<hbm>>) target(%arg10 : memref<128x128xf32, #tpu.memory_space<vmem>>) offsets(%dma_start3A_47 : memref<128xi32, #tpu.memory_space<vmem>>) semaphore(%arg16 : memref<!tpu.dma_semaphore, #tpu.memory_space<semaphore_mem>>)
    %dma_wait3A_51 = arith.constant 128 : i32
    %dma_wait3A_52 = tpu.memref_slice %arg7[%dma_wait3A_51] : memref<512xi32, #tpu.memory_space<vmem>> -> memref<384xi32, #tpu.memory_space<vmem>>
    %dma_wait3A_53 = tpu.memref_slice %arg2[%add3A_15] : memref<16384xi32, #tpu.memory_space<hbm>> -> memref<384xi32, #tpu.memory_space<hbm>>
    %dma_wait3A_54 = arith.constant 128 : i32
    %dma_wait3A_55 = tpu.memref_slice %arg7[%dma_wait3A_54] : memref<512xi32, #tpu.memory_space<vmem>> -> memref<384xi32, #tpu.memory_space<vmem>>
    %dma_wait3A_56 = tpu.memref_slice %arg2[%add3A_15] : memref<16384xi32, #tpu.memory_space<hbm>> -> memref<384xi32, #tpu.memory_space<hbm>>
    tpu.wait_dma2 semaphore(%arg17 : memref<!tpu.dma_semaphore, #tpu.memory_space<semaphore_mem>>) src(%dma_wait3A_56 : memref<384xi32, #tpu.memory_space<hbm>>) dst(%dma_wait3A_55 : memref<384xi32, #tpu.memory_space<vmem>>)
    %dma_wait3A_57 = arith.constant 128 : i32
    %dma_wait3A_58 = tpu.memref_slice %arg8[%dma_wait3A_57] : memref<512xi32, #tpu.memory_space<vmem>> -> memref<384xi32, #tpu.memory_space<vmem>>
    %dma_wait3A_59 = tpu.memref_slice %arg3[%add3A_23] : memref<16384xi32, #tpu.memory_space<hbm>> -> memref<384xi32, #tpu.memory_space<hbm>>
    %dma_wait3A_60 = arith.constant 128 : i32
    %dma_wait3A_61 = tpu.memref_slice %arg8[%dma_wait3A_60] : memref<512xi32, #tpu.memory_space<vmem>> -> memref<384xi32, #tpu.memory_space<vmem>>
    %dma_wait3A_62 = tpu.memref_slice %arg3[%add3A_23] : memref<16384xi32, #tpu.memory_space<hbm>> -> memref<384xi32, #tpu.memory_space<hbm>>
    tpu.wait_dma2 semaphore(%arg18 : memref<!tpu.dma_semaphore, #tpu.memory_space<semaphore_mem>>) src(%dma_wait3A_62 : memref<384xi32, #tpu.memory_space<hbm>>) dst(%dma_wait3A_61 : memref<384xi32, #tpu.memory_space<vmem>>)
    %dma_wait3A_63 = arith.constant 0 : i32
    %dma_wait3A_64 = tpu.memref_slice %arg7[%dma_wait3A_63] : memref<512xi32, #tpu.memory_space<vmem>> -> memref<128xi32, #tpu.memory_space<vmem>>
    %dma_wait3A_65 = arith.constant 0 : i32
    %dma_wait3A_66 = arith.constant 0 : i32
    %dma_wait3A_67 = tpu.memref_slice %arg4[%dma_wait3A_65, %dma_wait3A_66] : memref<1000000x128xf32, #tpu.memory_space<hbm>> -> memref<1000000x128xf32, #tpu.memory_space<hbm>>
    tpu.wait_indirect_dma semaphore(%arg15 : memref<!tpu.dma_semaphore, #tpu.memory_space<semaphore_mem>>) src(%dma_wait3A_67 : memref<1000000x128xf32, #tpu.memory_space<hbm>>) dst(%arg9 : memref<128x128xf32, #tpu.memory_space<vmem>>)
    %dma_wait3A_68 = arith.constant 0 : i32
    %dma_wait3A_69 = tpu.memref_slice %arg8[%dma_wait3A_68] : memref<512xi32, #tpu.memory_space<vmem>> -> memref<128xi32, #tpu.memory_space<vmem>>
    %dma_wait3A_70 = arith.constant 0 : i32
    %dma_wait3A_71 = arith.constant 0 : i32
    %dma_wait3A_72 = tpu.memref_slice %arg5[%dma_wait3A_70, %dma_wait3A_71] : memref<100000x128xf32, #tpu.memory_space<hbm>> -> memref<100000x128xf32, #tpu.memory_space<hbm>>
    tpu.wait_indirect_dma semaphore(%arg16 : memref<!tpu.dma_semaphore, #tpu.memory_space<semaphore_mem>>) src(%dma_wait3A_72 : memref<100000x128xf32, #tpu.memory_space<hbm>>) dst(%arg10 : memref<128x128xf32, #tpu.memory_space<vmem>>)
    %scan3A = arith.constant 0 : i32
    %scan3A_73 = arith.constant 2 : i32
    %scan3A_74 = arith.addi %scan3A, %scan3A_73 : i32
    %scan3A_75 = arith.constant 1 : i32
    scf.for %scan3A_77 = %scan3A to %scan3A_74 step %scan3A_75  : i32 {
      %mul3A_78 = arith.constant 2 : i32
      %mul3A_79 = arith.muli %scan3A_77, %mul3A_78 : i32
      %add3A_80 = arith.constant 0 : i32
      %add3A_81 = arith.addi %add3A_80, %mul3A_79 : i32
      %add3A_82 = arith.constant 1 : i32
      %add3A_83 = arith.addi %add3A_81, %add3A_82 : i32
      %min3A = arith.constant 3 : i32
      %min3A_84 = arith.minsi %add3A_83, %min3A : i32
      %mul3A_85 = arith.constant 128 : i32
      %mul3A_86 = arith.muli %min3A_84, %mul3A_85 : i32
      %dma_start3A_87 = tpu.memref_slice %arg7[%mul3A_86] : memref<512xi32, #tpu.memory_space<vmem>> -> memref<128xi32, #tpu.memory_space<vmem>>
      %dma_start3A_88 = arith.constant 0 : i32
      %dma_start3A_89 = arith.constant 0 : i32
      %dma_start3A_90 = tpu.memref_slice %arg4[%dma_start3A_88, %dma_start3A_89] : memref<1000000x128xf32, #tpu.memory_space<hbm>> -> memref<1000000x128xf32, #tpu.memory_space<hbm>>
      tpu.enqueue_indirect_dma source(%dma_start3A_90 : memref<1000000x128xf32, #tpu.memory_space<hbm>>) target(%arg11 : memref<128x128xf32, #tpu.memory_space<vmem>>) offsets(%dma_start3A_87 : memref<128xi32, #tpu.memory_space<vmem>>) semaphore(%arg17 : memref<!tpu.dma_semaphore, #tpu.memory_space<semaphore_mem>>)
      %dma_start3A_91 = tpu.memref_slice %arg8[%mul3A_86] : memref<512xi32, #tpu.memory_space<vmem>> -> memref<128xi32, #tpu.memory_space<vmem>>
      %dma_start3A_92 = arith.constant 0 : i32
      %dma_start3A_93 = arith.constant 0 : i32
      %dma_start3A_94 = tpu.memref_slice %arg5[%dma_start3A_92, %dma_start3A_93] : memref<100000x128xf32, #tpu.memory_space<hbm>> -> memref<100000x128xf32, #tpu.memory_space<hbm>>
      tpu.enqueue_indirect_dma source(%dma_start3A_94 : memref<100000x128xf32, #tpu.memory_space<hbm>>) target(%arg12 : memref<128x128xf32, #tpu.memory_space<vmem>>) offsets(%dma_start3A_91 : memref<128xi32, #tpu.memory_space<vmem>>) semaphore(%arg18 : memref<!tpu.dma_semaphore, #tpu.memory_space<semaphore_mem>>)
      %mul3A_95 = arith.constant 128 : i32
      %mul3A_96 = arith.muli %add3A_81, %mul3A_95 : i32
      %parallel_loop3A = arith.constant 0 : i32
      %parallel_loop3A_97 = arith.constant 128 : i32
      %parallel_loop3A_98 = arith.constant 1 : i32
      scf.for %parallel_loop3A_142 = %parallel_loop3A to %parallel_loop3A_97 step %parallel_loop3A_98  : i32 {
        %parallel_loop3A_143 = arith.index_cast %parallel_loop3A_142 : i32 to index
        %parallel_loop3A_144 = arith.constant 0 : index
        %parallel_loop3A_145 = tpu.vector_load %arg9[%parallel_loop3A_143, %parallel_loop3A_144] {strides = array<i32>} : memref<128x128xf32, #tpu.memory_space<vmem>>, vector<16xf32>,
        %parallel_loop3A_146 = arith.index_cast %parallel_loop3A_142 : i32 to index
        %parallel_loop3A_147 = arith.constant 0 : index
        %parallel_loop3A_148 = tpu.vector_load %arg10[%parallel_loop3A_146, %parallel_loop3A_147] {strides = array<i32>} : memref<128x128xf32, #tpu.memory_space<vmem>>, vector<16xf32>,
        %parallel_loop3A_149 = arith.mulf %parallel_loop3A_145, %parallel_loop3A_148 : vector<16xf32>
        %parallel_loop3A_150 = arith.index_cast %parallel_loop3A_142 : i32 to index
        %parallel_loop3A_151 = arith.constant 16 : index
        %parallel_loop3A_152 = tpu.vector_load %arg9[%parallel_loop3A_150, %parallel_loop3A_151] {strides = array<i32>} : memref<128x128xf32, #tpu.memory_space<vmem>>, vector<16xf32>,
        %parallel_loop3A_153 = arith.index_cast %parallel_loop3A_142 : i32 to index
        %parallel_loop3A_154 = arith.constant 16 : index
        %parallel_loop3A_155 = tpu.vector_load %arg10[%parallel_loop3A_153, %parallel_loop3A_154] {strides = array<i32>} : memref<128x128xf32, #tpu.memory_space<vmem>>, vector<16xf32>,
        %parallel_loop3A_156 = arith.mulf %parallel_loop3A_152, %parallel_loop3A_155 : vector<16xf32>
        %parallel_loop3A_157 = arith.index_cast %parallel_loop3A_142 : i32 to index
        %parallel_loop3A_158 = arith.constant 32 : index
        %parallel_loop3A_159 = tpu.vector_load %arg9[%parallel_loop3A_157, %parallel_loop3A_158] {strides = array<i32>} : memref<128x128xf32, #tpu.memory_space<vmem>>, vector<16xf32>,
        %parallel_loop3A_160 = arith.index_cast %parallel_loop3A_142 : i32 to index
        %parallel_loop3A_161 = arith.constant 32 : index
        %parallel_loop3A_162 = tpu.vector_load %arg10[%parallel_loop3A_160, %parallel_loop3A_161] {strides = array<i32>} : memref<128x128xf32, #tpu.memory_space<vmem>>, vector<16xf32>,
        %parallel_loop3A_163 = arith.mulf %parallel_loop3A_159, %parallel_loop3A_162 : vector<16xf32>
        %parallel_loop3A_164 = arith.index_cast %parallel_loop3A_142 : i32 to index
        %parallel_loop3A_165 = arith.constant 48 : index
        %parallel_loop3A_166 = tpu.vector_load %arg9[%parallel_loop3A_164, %parallel_loop3A_165] {strides = array<i32>} : memref<128x128xf32, #tpu.memory_space<vmem>>, vector<16xf32>,
        %parallel_loop3A_167 = arith.index_cast %parallel_loop3A_142 : i32 to index
        %parallel_loop3A_168 = arith.constant 48 : index
        %parallel_loop3A_169 = tpu.vector_load %arg10[%parallel_loop3A_167, %parallel_loop3A_168] {strides = array<i32>} : memref<128x128xf32, #tpu.memory_space<vmem>>, vector<16xf32>,
        %parallel_loop3A_170 = arith.mulf %parallel_loop3A_166, %parallel_loop3A_169 : vector<16xf32>
        %parallel_loop3A_171 = arith.index_cast %parallel_loop3A_142 : i32 to index
        %parallel_loop3A_172 = arith.constant 64 : index
        %parallel_loop3A_173 = tpu.vector_load %arg9[%parallel_loop3A_171, %parallel_loop3A_172] {strides = array<i32>} : memref<128x128xf32, #tpu.memory_space<vmem>>, vector<16xf32>,
        %parallel_loop3A_174 = arith.index_cast %parallel_loop3A_142 : i32 to index
        %parallel_loop3A_175 = arith.constant 64 : index
        %parallel_loop3A_176 = tpu.vector_load %arg10[%parallel_loop3A_174, %parallel_loop3A_175] {strides = array<i32>} : memref<128x128xf32, #tpu.memory_space<vmem>>, vector<16xf32>,
        %parallel_loop3A_177 = arith.mulf %parallel_loop3A_173, %parallel_loop3A_176 : vector<16xf32>
        %parallel_loop3A_178 = arith.index_cast %parallel_loop3A_142 : i32 to index
        %parallel_loop3A_179 = arith.constant 80 : index
        %parallel_loop3A_180 = tpu.vector_load %arg9[%parallel_loop3A_178, %parallel_loop3A_179] {strides = array<i32>} : memref<128x128xf32, #tpu.memory_space<vmem>>, vector<16xf32>,
        %parallel_loop3A_181 = arith.index_cast %parallel_loop3A_142 : i32 to index
        %parallel_loop3A_182 = arith.constant 80 : index
        %parallel_loop3A_183 = tpu.vector_load %arg10[%parallel_loop3A_181, %parallel_loop3A_182] {strides = array<i32>} : memref<128x128xf32, #tpu.memory_space<vmem>>, vector<16xf32>,
        %parallel_loop3A_184 = arith.mulf %parallel_loop3A_180, %parallel_loop3A_183 : vector<16xf32>
        %parallel_loop3A_185 = arith.index_cast %parallel_loop3A_142 : i32 to index
        %parallel_loop3A_186 = arith.constant 96 : index
        %parallel_loop3A_187 = tpu.vector_load %arg9[%parallel_loop3A_185, %parallel_loop3A_186] {strides = array<i32>} : memref<128x128xf32, #tpu.memory_space<vmem>>, vector<16xf32>,
        %parallel_loop3A_188 = arith.index_cast %parallel_loop3A_142 : i32 to index
        %parallel_loop3A_189 = arith.constant 96 : index
        %parallel_loop3A_190 = tpu.vector_load %arg10[%parallel_loop3A_188, %parallel_loop3A_189] {strides = array<i32>} : memref<128x128xf32, #tpu.memory_space<vmem>>, vector<16xf32>,
        %parallel_loop3A_191 = arith.mulf %parallel_loop3A_187, %parallel_loop3A_190 : vector<16xf32>
        %parallel_loop3A_192 = arith.index_cast %parallel_loop3A_142 : i32 to index
        %parallel_loop3A_193 = arith.constant 112 : index
        %parallel_loop3A_194 = tpu.vector_load %arg9[%parallel_loop3A_192, %parallel_loop3A_193] {strides = array<i32>} : memref<128x128xf32, #tpu.memory_space<vmem>>, vector<16xf32>,
        %parallel_loop3A_195 = arith.index_cast %parallel_loop3A_142 : i32 to index
        %parallel_loop3A_196 = arith.constant 112 : index
        %parallel_loop3A_197 = tpu.vector_load %arg10[%parallel_loop3A_195, %parallel_loop3A_196] {strides = array<i32>} : memref<128x128xf32, #tpu.memory_space<vmem>>, vector<16xf32>,
        %parallel_loop3A_198 = arith.mulf %parallel_loop3A_194, %parallel_loop3A_197 : vector<16xf32>
        %parallel_loop3A_199 = arith.addf %parallel_loop3A_149, %parallel_loop3A_156 : vector<16xf32>
        %parallel_loop3A_200 = arith.addf %parallel_loop3A_163, %parallel_loop3A_170 : vector<16xf32>
        %parallel_loop3A_201 = arith.addf %parallel_loop3A_177, %parallel_loop3A_184 : vector<16xf32>
        %parallel_loop3A_202 = arith.addf %parallel_loop3A_191, %parallel_loop3A_198 : vector<16xf32>
        %parallel_loop3A_203 = arith.addf %parallel_loop3A_199, %parallel_loop3A_200 : vector<16xf32>
        %parallel_loop3A_204 = arith.addf %parallel_loop3A_201, %parallel_loop3A_202 : vector<16xf32>
        %parallel_loop3A_205 = arith.addf %parallel_loop3A_203, %parallel_loop3A_204 : vector<16xf32>
        %parallel_loop3A_206 = arith.constant 17 : i32
        %parallel_loop3A_207 = arith.muli %parallel_loop3A_142, %parallel_loop3A_206 : i32
        %parallel_loop3A_208 = arith.index_cast %parallel_loop3A_207 : i32 to index
        %parallel_loop3A_209 = tpu.vector_load %arg14[%parallel_loop3A_208] {strides = array<i32>} : memref<2176xf32, #tpu.memory_space<vmem>>, vector<16xf32>,
        tpu.vector_store %arg14[%parallel_loop3A_208], %parallel_loop3A_205 {strides = array<i32>} : memref<2176xf32, #tpu.memory_space<vmem>>, vector<16xf32>,
      } {sc.loop_unroll_factor = 1 : i64, sc.parallel_access}
      %parallel_loop3A_99 = arith.constant 0 : i32
      %parallel_loop3A_100 = arith.constant 128 : i32
      %parallel_loop3A_101 = arith.constant 16 : i32
      scf.for %parallel_loop3A_142 = %parallel_loop3A_99 to %parallel_loop3A_100 step %parallel_loop3A_101  : i32 {
        %parallel_loop3A_143 = tpu.iota {dimensions = array<i32: 0>} : vector<16xi32>
        %parallel_loop3A_144 = vector.broadcast %parallel_loop3A_142 : i32 to vector<16xi32>
        %parallel_loop3A_145 = arith.addi %parallel_loop3A_143, %parallel_loop3A_144 : vector<16xi32>
        %parallel_loop3A_146 = arith.constant 17 : i32
        %parallel_loop3A_147 = vector.broadcast %parallel_loop3A_146 : i32 to vector<16xi32>
        %parallel_loop3A_148 = arith.muli %parallel_loop3A_145, %parallel_loop3A_147 : vector<16xi32>
        %parallel_loop3A_149 = arith.constant 0 : i32
        %parallel_loop3A_150 = vector.broadcast %parallel_loop3A_149 : i32 to vector<16xi32>
        %parallel_loop3A_151 = arith.addi %parallel_loop3A_148, %parallel_loop3A_150 : vector<16xi32>
        %parallel_loop3A_152 = tpu.vector_load_idx %arg14[%parallel_loop3A_151] : memref<2176xf32, #tpu.memory_space<vmem>>[vector<16xi32>], vector<16xf32>,
        %parallel_loop3A_153 = arith.constant 1 : i32
        %parallel_loop3A_154 = vector.broadcast %parallel_loop3A_153 : i32 to vector<16xi32>
        %parallel_loop3A_155 = arith.addi %parallel_loop3A_148, %parallel_loop3A_154 : vector<16xi32>
        %parallel_loop3A_156 = tpu.vector_load_idx %arg14[%parallel_loop3A_155] : memref<2176xf32, #tpu.memory_space<vmem>>[vector<16xi32>], vector<16xf32>,
        %parallel_loop3A_157 = arith.constant 2 : i32
        %parallel_loop3A_158 = vector.broadcast %parallel_loop3A_157 : i32 to vector<16xi32>
        %parallel_loop3A_159 = arith.addi %parallel_loop3A_148, %parallel_loop3A_158 : vector<16xi32>
        %parallel_loop3A_160 = tpu.vector_load_idx %arg14[%parallel_loop3A_159] : memref<2176xf32, #tpu.memory_space<vmem>>[vector<16xi32>], vector<16xf32>,
        %parallel_loop3A_161 = arith.constant 3 : i32
        %parallel_loop3A_162 = vector.broadcast %parallel_loop3A_161 : i32 to vector<16xi32>
        %parallel_loop3A_163 = arith.addi %parallel_loop3A_148, %parallel_loop3A_162 : vector<16xi32>
        %parallel_loop3A_164 = tpu.vector_load_idx %arg14[%parallel_loop3A_163] : memref<2176xf32, #tpu.memory_space<vmem>>[vector<16xi32>], vector<16xf32>,
        %parallel_loop3A_165 = arith.constant 4 : i32
        %parallel_loop3A_166 = vector.broadcast %parallel_loop3A_165 : i32 to vector<16xi32>
        %parallel_loop3A_167 = arith.addi %parallel_loop3A_148, %parallel_loop3A_166 : vector<16xi32>
        %parallel_loop3A_168 = tpu.vector_load_idx %arg14[%parallel_loop3A_167] : memref<2176xf32, #tpu.memory_space<vmem>>[vector<16xi32>], vector<16xf32>,
        %parallel_loop3A_169 = arith.constant 5 : i32
        %parallel_loop3A_170 = vector.broadcast %parallel_loop3A_169 : i32 to vector<16xi32>
        %parallel_loop3A_171 = arith.addi %parallel_loop3A_148, %parallel_loop3A_170 : vector<16xi32>
        %parallel_loop3A_172 = tpu.vector_load_idx %arg14[%parallel_loop3A_171] : memref<2176xf32, #tpu.memory_space<vmem>>[vector<16xi32>], vector<16xf32>,
        %parallel_loop3A_173 = arith.constant 6 : i32
        %parallel_loop3A_174 = vector.broadcast %parallel_loop3A_173 : i32 to vector<16xi32>
        %parallel_loop3A_175 = arith.addi %parallel_loop3A_148, %parallel_loop3A_174 : vector<16xi32>
        %parallel_loop3A_176 = tpu.vector_load_idx %arg14[%parallel_loop3A_175] : memref<2176xf32, #tpu.memory_space<vmem>>[vector<16xi32>], vector<16xf32>,
        %parallel_loop3A_177 = arith.constant 7 : i32
        %parallel_loop3A_178 = vector.broadcast %parallel_loop3A_177 : i32 to vector<16xi32>
        %parallel_loop3A_179 = arith.addi %parallel_loop3A_148, %parallel_loop3A_178 : vector<16xi32>
        %parallel_loop3A_180 = tpu.vector_load_idx %arg14[%parallel_loop3A_179] : memref<2176xf32, #tpu.memory_space<vmem>>[vector<16xi32>], vector<16xf32>,
        %parallel_loop3A_181 = arith.constant 8 : i32
        %parallel_loop3A_182 = vector.broadcast %parallel_loop3A_181 : i32 to vector<16xi32>
        %parallel_loop3A_183 = arith.addi %parallel_loop3A_148, %parallel_loop3A_182 : vector<16xi32>
        %parallel_loop3A_184 = tpu.vector_load_idx %arg14[%parallel_loop3A_183] : memref<2176xf32, #tpu.memory_space<vmem>>[vector<16xi32>], vector<16xf32>,
        %parallel_loop3A_185 = arith.constant 9 : i32
        %parallel_loop3A_186 = vector.broadcast %parallel_loop3A_185 : i32 to vector<16xi32>
        %parallel_loop3A_187 = arith.addi %parallel_loop3A_148, %parallel_loop3A_186 : vector<16xi32>
        %parallel_loop3A_188 = tpu.vector_load_idx %arg14[%parallel_loop3A_187] : memref<2176xf32, #tpu.memory_space<vmem>>[vector<16xi32>], vector<16xf32>,
        %parallel_loop3A_189 = arith.constant 10 : i32
        %parallel_loop3A_190 = vector.broadcast %parallel_loop3A_189 : i32 to vector<16xi32>
        %parallel_loop3A_191 = arith.addi %parallel_loop3A_148, %parallel_loop3A_190 : vector<16xi32>
        %parallel_loop3A_192 = tpu.vector_load_idx %arg14[%parallel_loop3A_191] : memref<2176xf32, #tpu.memory_space<vmem>>[vector<16xi32>], vector<16xf32>,
        %parallel_loop3A_193 = arith.constant 11 : i32
        %parallel_loop3A_194 = vector.broadcast %parallel_loop3A_193 : i32 to vector<16xi32>
        %parallel_loop3A_195 = arith.addi %parallel_loop3A_148, %parallel_loop3A_194 : vector<16xi32>
        %parallel_loop3A_196 = tpu.vector_load_idx %arg14[%parallel_loop3A_195] : memref<2176xf32, #tpu.memory_space<vmem>>[vector<16xi32>], vector<16xf32>,
        %parallel_loop3A_197 = arith.constant 12 : i32
        %parallel_loop3A_198 = vector.broadcast %parallel_loop3A_197 : i32 to vector<16xi32>
        %parallel_loop3A_199 = arith.addi %parallel_loop3A_148, %parallel_loop3A_198 : vector<16xi32>
        %parallel_loop3A_200 = tpu.vector_load_idx %arg14[%parallel_loop3A_199] : memref<2176xf32, #tpu.memory_space<vmem>>[vector<16xi32>], vector<16xf32>,
        %parallel_loop3A_201 = arith.constant 13 : i32
        %parallel_loop3A_202 = vector.broadcast %parallel_loop3A_201 : i32 to vector<16xi32>
        %parallel_loop3A_203 = arith.addi %parallel_loop3A_148, %parallel_loop3A_202 : vector<16xi32>
        %parallel_loop3A_204 = tpu.vector_load_idx %arg14[%parallel_loop3A_203] : memref<2176xf32, #tpu.memory_space<vmem>>[vector<16xi32>], vector<16xf32>,
        %parallel_loop3A_205 = arith.constant 14 : i32
        %parallel_loop3A_206 = vector.broadcast %parallel_loop3A_205 : i32 to vector<16xi32>
        %parallel_loop3A_207 = arith.addi %parallel_loop3A_148, %parallel_loop3A_206 : vector<16xi32>
        %parallel_loop3A_208 = tpu.vector_load_idx %arg14[%parallel_loop3A_207] : memref<2176xf32, #tpu.memory_space<vmem>>[vector<16xi32>], vector<16xf32>,
        %parallel_loop3A_209 = arith.constant 15 : i32
        %parallel_loop3A_210 = vector.broadcast %parallel_loop3A_209 : i32 to vector<16xi32>
        %parallel_loop3A_211 = arith.addi %parallel_loop3A_148, %parallel_loop3A_210 : vector<16xi32>
        %parallel_loop3A_212 = tpu.vector_load_idx %arg14[%parallel_loop3A_211] : memref<2176xf32, #tpu.memory_space<vmem>>[vector<16xi32>], vector<16xf32>,
        %parallel_loop3A_213 = arith.addf %parallel_loop3A_152, %parallel_loop3A_156 : vector<16xf32>
        %parallel_loop3A_214 = arith.addf %parallel_loop3A_160, %parallel_loop3A_164 : vector<16xf32>
        %parallel_loop3A_215 = arith.addf %parallel_loop3A_168, %parallel_loop3A_172 : vector<16xf32>
        %parallel_loop3A_216 = arith.addf %parallel_loop3A_176, %parallel_loop3A_180 : vector<16xf32>
        %parallel_loop3A_217 = arith.addf %parallel_loop3A_184, %parallel_loop3A_188 : vector<16xf32>
        %parallel_loop3A_218 = arith.addf %parallel_loop3A_192, %parallel_loop3A_196 : vector<16xf32>
        %parallel_loop3A_219 = arith.addf %parallel_loop3A_200, %parallel_loop3A_204 : vector<16xf32>
        %parallel_loop3A_220 = arith.addf %parallel_loop3A_208, %parallel_loop3A_212 : vector<16xf32>
        %parallel_loop3A_221 = arith.addf %parallel_loop3A_213, %parallel_loop3A_214 : vector<16xf32>
        %parallel_loop3A_222 = arith.addf %parallel_loop3A_215, %parallel_loop3A_216 : vector<16xf32>
        %parallel_loop3A_223 = arith.addf %parallel_loop3A_217, %parallel_loop3A_218 : vector<16xf32>
        %parallel_loop3A_224 = arith.addf %parallel_loop3A_219, %parallel_loop3A_220 : vector<16xf32>
        %parallel_loop3A_225 = arith.addf %parallel_loop3A_221, %parallel_loop3A_222 : vector<16xf32>
        %parallel_loop3A_226 = arith.addf %parallel_loop3A_223, %parallel_loop3A_224 : vector<16xf32>
        %parallel_loop3A_227 = arith.addf %parallel_loop3A_225, %parallel_loop3A_226 : vector<16xf32>
        %parallel_loop3A_228 = arith.addi %mul3A_96, %parallel_loop3A_142 : i32
        %parallel_loop3A_229 = arith.index_cast %parallel_loop3A_228 : i32 to index
        %parallel_loop3A_230 = tpu.vector_load %arg13[%parallel_loop3A_229] {strides = array<i32>} : memref<512xf32, #tpu.memory_space<vmem>>, vector<16xf32>,
        tpu.vector_store %arg13[%parallel_loop3A_229], %parallel_loop3A_227 {strides = array<i32>} : memref<512xf32, #tpu.memory_space<vmem>>, vector<16xf32>,
      } {sc.loop_unroll_factor = 1 : i64, sc.parallel_access}
      %dma_wait3A_102 = tpu.memref_slice %arg7[%mul3A_86] : memref<512xi32, #tpu.memory_space<vmem>> -> memref<128xi32, #tpu.memory_space<vmem>>
      %dma_wait3A_103 = arith.constant 0 : i32
      %dma_wait3A_104 = arith.constant 0 : i32
      %dma_wait3A_105 = tpu.memref_slice %arg4[%dma_wait3A_103, %dma_wait3A_104] : memref<1000000x128xf32, #tpu.memory_space<hbm>> -> memref<1000000x128xf32, #tpu.memory_space<hbm>>
      tpu.wait_indirect_dma semaphore(%arg17 : memref<!tpu.dma_semaphore, #tpu.memory_space<semaphore_mem>>) src(%dma_wait3A_105 : memref<1000000x128xf32, #tpu.memory_space<hbm>>) dst(%arg11 : memref<128x128xf32, #tpu.memory_space<vmem>>)
      %dma_wait3A_106 = tpu.memref_slice %arg8[%mul3A_86] : memref<512xi32, #tpu.memory_space<vmem>> -> memref<128xi32, #tpu.memory_space<vmem>>
      %dma_wait3A_107 = arith.constant 0 : i32
      %dma_wait3A_108 = arith.constant 0 : i32
      %dma_wait3A_109 = tpu.memref_slice %arg5[%dma_wait3A_107, %dma_wait3A_108] : memref<100000x128xf32, #tpu.memory_space<hbm>> -> memref<100000x128xf32, #tpu.memory_space<hbm>>
      tpu.wait_indirect_dma semaphore(%arg18 : memref<!tpu.dma_semaphore, #tpu.memory_space<semaphore_mem>>) src(%dma_wait3A_109 : memref<100000x128xf32, #tpu.memory_space<hbm>>) dst(%arg12 : memref<128x128xf32, #tpu.memory_space<vmem>>)
      %add3A_110 = arith.constant 2 : i32
      %add3A_111 = arith.addi %add3A_81, %add3A_110 : i32
      %min3A_112 = arith.constant 3 : i32
      %min3A_113 = arith.minsi %add3A_111, %min3A_112 : i32
      %mul3A_114 = arith.constant 128 : i32
      %mul3A_115 = arith.muli %min3A_113, %mul3A_114 : i32
      %dma_start3A_116 = tpu.memref_slice %arg7[%mul3A_115] : memref<512xi32, #tpu.memory_space<vmem>> -> memref<128xi32, #tpu.memory_space<vmem>>
      %dma_start3A_117 = arith.constant 0 : i32
      %dma_start3A_118 = arith.constant 0 : i32
      %dma_start3A_119 = tpu.memref_slice %arg4[%dma_start3A_117, %dma_start3A_118] : memref<1000000x128xf32, #tpu.memory_space<hbm>> -> memref<1000000x128xf32, #tpu.memory_space<hbm>>
      tpu.enqueue_indirect_dma source(%dma_start3A_119 : memref<1000000x128xf32, #tpu.memory_space<hbm>>) target(%arg9 : memref<128x128xf32, #tpu.memory_space<vmem>>) offsets(%dma_start3A_116 : memref<128xi32, #tpu.memory_space<vmem>>) semaphore(%arg15 : memref<!tpu.dma_semaphore, #tpu.memory_space<semaphore_mem>>)
      %dma_start3A_120 = tpu.memref_slice %arg8[%mul3A_115] : memref<512xi32, #tpu.memory_space<vmem>> -> memref<128xi32, #tpu.memory_space<vmem>>
      %dma_start3A_121 = arith.constant 0 : i32
      %dma_start3A_122 = arith.constant 0 : i32
      %dma_start3A_123 = tpu.memref_slice %arg5[%dma_start3A_121, %dma_start3A_122] : memref<100000x128xf32, #tpu.memory_space<hbm>> -> memref<100000x128xf32, #tpu.memory_space<hbm>>
      tpu.enqueue_indirect_dma source(%dma_start3A_123 : memref<100000x128xf32, #tpu.memory_space<hbm>>) target(%arg10 : memref<128x128xf32, #tpu.memory_space<vmem>>) offsets(%dma_start3A_120 : memref<128xi32, #tpu.memory_space<vmem>>) semaphore(%arg16 : memref<!tpu.dma_semaphore, #tpu.memory_space<semaphore_mem>>)
      %add3A_124 = arith.constant 1 : i32
      %add3A_125 = arith.addi %add3A_81, %add3A_124 : i32
      %mul3A_126 = arith.constant 128 : i32
      %mul3A_127 = arith.muli %add3A_125, %mul3A_126 : i32
      %parallel_loop3A_128 = arith.constant 0 : i32
      %parallel_loop3A_129 = arith.constant 128 : i32
      %parallel_loop3A_130 = arith.constant 1 : i32
      scf.for %parallel_loop3A_142 = %parallel_loop3A_128 to %parallel_loop3A_129 step %parallel_loop3A_130  : i32 {
        %parallel_loop3A_143 = arith.index_cast %parallel_loop3A_142 : i32 to index
        %parallel_loop3A_144 = arith.constant 0 : index
        %parallel_loop3A_145 = tpu.vector_load %arg11[%parallel_loop3A_143, %parallel_loop3A_144] {strides = array<i32>} : memref<128x128xf32, #tpu.memory_space<vmem>>, vector<16xf32>,
        %parallel_loop3A_146 = arith.index_cast %parallel_loop3A_142 : i32 to index
        %parallel_loop3A_147 = arith.constant 0 : index
        %parallel_loop3A_148 = tpu.vector_load %arg12[%parallel_loop3A_146, %parallel_loop3A_147] {strides = array<i32>} : memref<128x128xf32, #tpu.memory_space<vmem>>, vector<16xf32>,
        %parallel_loop3A_149 = arith.mulf %parallel_loop3A_145, %parallel_loop3A_148 : vector<16xf32>
        %parallel_loop3A_150 = arith.index_cast %parallel_loop3A_142 : i32 to index
        %parallel_loop3A_151 = arith.constant 16 : index
        %parallel_loop3A_152 = tpu.vector_load %arg11[%parallel_loop3A_150, %parallel_loop3A_151] {strides = array<i32>} : memref<128x128xf32, #tpu.memory_space<vmem>>, vector<16xf32>,
        %parallel_loop3A_153 = arith.index_cast %parallel_loop3A_142 : i32 to index
        %parallel_loop3A_154 = arith.constant 16 : index
        %parallel_loop3A_155 = tpu.vector_load %arg12[%parallel_loop3A_153, %parallel_loop3A_154] {strides = array<i32>} : memref<128x128xf32, #tpu.memory_space<vmem>>, vector<16xf32>,
        %parallel_loop3A_156 = arith.mulf %parallel_loop3A_152, %parallel_loop3A_155 : vector<16xf32>
        %parallel_loop3A_157 = arith.index_cast %parallel_loop3A_142 : i32 to index
        %parallel_loop3A_158 = arith.constant 32 : index
        %parallel_loop3A_159 = tpu.vector_load %arg11[%parallel_loop3A_157, %parallel_loop3A_158] {strides = array<i32>} : memref<128x128xf32, #tpu.memory_space<vmem>>, vector<16xf32>,
        %parallel_loop3A_160 = arith.index_cast %parallel_loop3A_142 : i32 to index
        %parallel_loop3A_161 = arith.constant 32 : index
        %parallel_loop3A_162 = tpu.vector_load %arg12[%parallel_loop3A_160, %parallel_loop3A_161] {strides = array<i32>} : memref<128x128xf32, #tpu.memory_space<vmem>>, vector<16xf32>,
        %parallel_loop3A_163 = arith.mulf %parallel_loop3A_159, %parallel_loop3A_162 : vector<16xf32>
        %parallel_loop3A_164 = arith.index_cast %parallel_loop3A_142 : i32 to index
        %parallel_loop3A_165 = arith.constant 48 : index
        %parallel_loop3A_166 = tpu.vector_load %arg11[%parallel_loop3A_164, %parallel_loop3A_165] {strides = array<i32>} : memref<128x128xf32, #tpu.memory_space<vmem>>, vector<16xf32>,
        %parallel_loop3A_167 = arith.index_cast %parallel_loop3A_142 : i32 to index
        %parallel_loop3A_168 = arith.constant 48 : index
        %parallel_loop3A_169 = tpu.vector_load %arg12[%parallel_loop3A_167, %parallel_loop3A_168] {strides = array<i32>} : memref<128x128xf32, #tpu.memory_space<vmem>>, vector<16xf32>,
        %parallel_loop3A_170 = arith.mulf %parallel_loop3A_166, %parallel_loop3A_169 : vector<16xf32>
        %parallel_loop3A_171 = arith.index_cast %parallel_loop3A_142 : i32 to index
        %parallel_loop3A_172 = arith.constant 64 : index
        %parallel_loop3A_173 = tpu.vector_load %arg11[%parallel_loop3A_171, %parallel_loop3A_172] {strides = array<i32>} : memref<128x128xf32, #tpu.memory_space<vmem>>, vector<16xf32>,
        %parallel_loop3A_174 = arith.index_cast %parallel_loop3A_142 : i32 to index
        %parallel_loop3A_175 = arith.constant 64 : index
        %parallel_loop3A_176 = tpu.vector_load %arg12[%parallel_loop3A_174, %parallel_loop3A_175] {strides = array<i32>} : memref<128x128xf32, #tpu.memory_space<vmem>>, vector<16xf32>,
        %parallel_loop3A_177 = arith.mulf %parallel_loop3A_173, %parallel_loop3A_176 : vector<16xf32>
        %parallel_loop3A_178 = arith.index_cast %parallel_loop3A_142 : i32 to index
        %parallel_loop3A_179 = arith.constant 80 : index
        %parallel_loop3A_180 = tpu.vector_load %arg11[%parallel_loop3A_178, %parallel_loop3A_179] {strides = array<i32>} : memref<128x128xf32, #tpu.memory_space<vmem>>, vector<16xf32>,
        %parallel_loop3A_181 = arith.index_cast %parallel_loop3A_142 : i32 to index
        %parallel_loop3A_182 = arith.constant 80 : index
        %parallel_loop3A_183 = tpu.vector_load %arg12[%parallel_loop3A_181, %parallel_loop3A_182] {strides = array<i32>} : memref<128x128xf32, #tpu.memory_space<vmem>>, vector<16xf32>,
        %parallel_loop3A_184 = arith.mulf %parallel_loop3A_180, %parallel_loop3A_183 : vector<16xf32>
        %parallel_loop3A_185 = arith.index_cast %parallel_loop3A_142 : i32 to index
        %parallel_loop3A_186 = arith.constant 96 : index
        %parallel_loop3A_187 = tpu.vector_load %arg11[%parallel_loop3A_185, %parallel_loop3A_186] {strides = array<i32>} : memref<128x128xf32, #tpu.memory_space<vmem>>, vector<16xf32>,
        %parallel_loop3A_188 = arith.index_cast %parallel_loop3A_142 : i32 to index
        %parallel_loop3A_189 = arith.constant 96 : index
        %parallel_loop3A_190 = tpu.vector_load %arg12[%parallel_loop3A_188, %parallel_loop3A_189] {strides = array<i32>} : memref<128x128xf32, #tpu.memory_space<vmem>>, vector<16xf32>,
        %parallel_loop3A_191 = arith.mulf %parallel_loop3A_187, %parallel_loop3A_190 : vector<16xf32>
        %parallel_loop3A_192 = arith.index_cast %parallel_loop3A_142 : i32 to index
        %parallel_loop3A_193 = arith.constant 112 : index
        %parallel_loop3A_194 = tpu.vector_load %arg11[%parallel_loop3A_192, %parallel_loop3A_193] {strides = array<i32>} : memref<128x128xf32, #tpu.memory_space<vmem>>, vector<16xf32>,
        %parallel_loop3A_195 = arith.index_cast %parallel_loop3A_142 : i32 to index
        %parallel_loop3A_196 = arith.constant 112 : index
        %parallel_loop3A_197 = tpu.vector_load %arg12[%parallel_loop3A_195, %parallel_loop3A_196] {strides = array<i32>} : memref<128x128xf32, #tpu.memory_space<vmem>>, vector<16xf32>,
        %parallel_loop3A_198 = arith.mulf %parallel_loop3A_194, %parallel_loop3A_197 : vector<16xf32>
        %parallel_loop3A_199 = arith.addf %parallel_loop3A_149, %parallel_loop3A_156 : vector<16xf32>
        %parallel_loop3A_200 = arith.addf %parallel_loop3A_163, %parallel_loop3A_170 : vector<16xf32>
        %parallel_loop3A_201 = arith.addf %parallel_loop3A_177, %parallel_loop3A_184 : vector<16xf32>
        %parallel_loop3A_202 = arith.addf %parallel_loop3A_191, %parallel_loop3A_198 : vector<16xf32>
        %parallel_loop3A_203 = arith.addf %parallel_loop3A_199, %parallel_loop3A_200 : vector<16xf32>
        %parallel_loop3A_204 = arith.addf %parallel_loop3A_201, %parallel_loop3A_202 : vector<16xf32>
        %parallel_loop3A_205 = arith.addf %parallel_loop3A_203, %parallel_loop3A_204 : vector<16xf32>
        %parallel_loop3A_206 = arith.constant 17 : i32
        %parallel_loop3A_207 = arith.muli %parallel_loop3A_142, %parallel_loop3A_206 : i32
        %parallel_loop3A_208 = arith.index_cast %parallel_loop3A_207 : i32 to index
        %parallel_loop3A_209 = tpu.vector_load %arg14[%parallel_loop3A_208] {strides = array<i32>} : memref<2176xf32, #tpu.memory_space<vmem>>, vector<16xf32>,
        tpu.vector_store %arg14[%parallel_loop3A_208], %parallel_loop3A_205 {strides = array<i32>} : memref<2176xf32, #tpu.memory_space<vmem>>, vector<16xf32>,
      } {sc.loop_unroll_factor = 1 : i64, sc.parallel_access}
      %parallel_loop3A_131 = arith.constant 0 : i32
      %parallel_loop3A_132 = arith.constant 128 : i32
      %parallel_loop3A_133 = arith.constant 16 : i32
      scf.for %parallel_loop3A_142 = %parallel_loop3A_131 to %parallel_loop3A_132 step %parallel_loop3A_133  : i32 {
        %parallel_loop3A_143 = tpu.iota {dimensions = array<i32: 0>} : vector<16xi32>
        %parallel_loop3A_144 = vector.broadcast %parallel_loop3A_142 : i32 to vector<16xi32>
        %parallel_loop3A_145 = arith.addi %parallel_loop3A_143, %parallel_loop3A_144 : vector<16xi32>
        %parallel_loop3A_146 = arith.constant 17 : i32
        %parallel_loop3A_147 = vector.broadcast %parallel_loop3A_146 : i32 to vector<16xi32>
        %parallel_loop3A_148 = arith.muli %parallel_loop3A_145, %parallel_loop3A_147 : vector<16xi32>
        %parallel_loop3A_149 = arith.constant 0 : i32
        %parallel_loop3A_150 = vector.broadcast %parallel_loop3A_149 : i32 to vector<16xi32>
        %parallel_loop3A_151 = arith.addi %parallel_loop3A_148, %parallel_loop3A_150 : vector<16xi32>
        %parallel_loop3A_152 = tpu.vector_load_idx %arg14[%parallel_loop3A_151] : memref<2176xf32, #tpu.memory_space<vmem>>[vector<16xi32>], vector<16xf32>,
        %parallel_loop3A_153 = arith.constant 1 : i32
        %parallel_loop3A_154 = vector.broadcast %parallel_loop3A_153 : i32 to vector<16xi32>
        %parallel_loop3A_155 = arith.addi %parallel_loop3A_148, %parallel_loop3A_154 : vector<16xi32>
        %parallel_loop3A_156 = tpu.vector_load_idx %arg14[%parallel_loop3A_155] : memref<2176xf32, #tpu.memory_space<vmem>>[vector<16xi32>], vector<16xf32>,
        %parallel_loop3A_157 = arith.constant 2 : i32
        %parallel_loop3A_158 = vector.broadcast %parallel_loop3A_157 : i32 to vector<16xi32>
        %parallel_loop3A_159 = arith.addi %parallel_loop3A_148, %parallel_loop3A_158 : vector<16xi32>
        %parallel_loop3A_160 = tpu.vector_load_idx %arg14[%parallel_loop3A_159] : memref<2176xf32, #tpu.memory_space<vmem>>[vector<16xi32>], vector<16xf32>,
        %parallel_loop3A_161 = arith.constant 3 : i32
        %parallel_loop3A_162 = vector.broadcast %parallel_loop3A_161 : i32 to vector<16xi32>
        %parallel_loop3A_163 = arith.addi %parallel_loop3A_148, %parallel_loop3A_162 : vector<16xi32>
        %parallel_loop3A_164 = tpu.vector_load_idx %arg14[%parallel_loop3A_163] : memref<2176xf32, #tpu.memory_space<vmem>>[vector<16xi32>], vector<16xf32>,
        %parallel_loop3A_165 = arith.constant 4 : i32
        %parallel_loop3A_166 = vector.broadcast %parallel_loop3A_165 : i32 to vector<16xi32>
        %parallel_loop3A_167 = arith.addi %parallel_loop3A_148, %parallel_loop3A_166 : vector<16xi32>
        %parallel_loop3A_168 = tpu.vector_load_idx %arg14[%parallel_loop3A_167] : memref<2176xf32, #tpu.memory_space<vmem>>[vector<16xi32>], vector<16xf32>,
        %parallel_loop3A_169 = arith.constant 5 : i32
        %parallel_loop3A_170 = vector.broadcast %parallel_loop3A_169 : i32 to vector<16xi32>
        %parallel_loop3A_171 = arith.addi %parallel_loop3A_148, %parallel_loop3A_170 : vector<16xi32>
        %parallel_loop3A_172 = tpu.vector_load_idx %arg14[%parallel_loop3A_171] : memref<2176xf32, #tpu.memory_space<vmem>>[vector<16xi32>], vector<16xf32>,
        %parallel_loop3A_173 = arith.constant 6 : i32
        %parallel_loop3A_174 = vector.broadcast %parallel_loop3A_173 : i32 to vector<16xi32>
        %parallel_loop3A_175 = arith.addi %parallel_loop3A_148, %parallel_loop3A_174 : vector<16xi32>
        %parallel_loop3A_176 = tpu.vector_load_idx %arg14[%parallel_loop3A_175] : memref<2176xf32, #tpu.memory_space<vmem>>[vector<16xi32>], vector<16xf32>,
        %parallel_loop3A_177 = arith.constant 7 : i32
        %parallel_loop3A_178 = vector.broadcast %parallel_loop3A_177 : i32 to vector<16xi32>
        %parallel_loop3A_179 = arith.addi %parallel_loop3A_148, %parallel_loop3A_178 : vector<16xi32>
        %parallel_loop3A_180 = tpu.vector_load_idx %arg14[%parallel_loop3A_179] : memref<2176xf32, #tpu.memory_space<vmem>>[vector<16xi32>], vector<16xf32>,
        %parallel_loop3A_181 = arith.constant 8 : i32
        %parallel_loop3A_182 = vector.broadcast %parallel_loop3A_181 : i32 to vector<16xi32>
        %parallel_loop3A_183 = arith.addi %parallel_loop3A_148, %parallel_loop3A_182 : vector<16xi32>
        %parallel_loop3A_184 = tpu.vector_load_idx %arg14[%parallel_loop3A_183] : memref<2176xf32, #tpu.memory_space<vmem>>[vector<16xi32>], vector<16xf32>,
        %parallel_loop3A_185 = arith.constant 9 : i32
        %parallel_loop3A_186 = vector.broadcast %parallel_loop3A_185 : i32 to vector<16xi32>
        %parallel_loop3A_187 = arith.addi %parallel_loop3A_148, %parallel_loop3A_186 : vector<16xi32>
        %parallel_loop3A_188 = tpu.vector_load_idx %arg14[%parallel_loop3A_187] : memref<2176xf32, #tpu.memory_space<vmem>>[vector<16xi32>], vector<16xf32>,
        %parallel_loop3A_189 = arith.constant 10 : i32
        %parallel_loop3A_190 = vector.broadcast %parallel_loop3A_189 : i32 to vector<16xi32>
        %parallel_loop3A_191 = arith.addi %parallel_loop3A_148, %parallel_loop3A_190 : vector<16xi32>
        %parallel_loop3A_192 = tpu.vector_load_idx %arg14[%parallel_loop3A_191] : memref<2176xf32, #tpu.memory_space<vmem>>[vector<16xi32>], vector<16xf32>,
        %parallel_loop3A_193 = arith.constant 11 : i32
        %parallel_loop3A_194 = vector.broadcast %parallel_loop3A_193 : i32 to vector<16xi32>
        %parallel_loop3A_195 = arith.addi %parallel_loop3A_148, %parallel_loop3A_194 : vector<16xi32>
        %parallel_loop3A_196 = tpu.vector_load_idx %arg14[%parallel_loop3A_195] : memref<2176xf32, #tpu.memory_space<vmem>>[vector<16xi32>], vector<16xf32>,
        %parallel_loop3A_197 = arith.constant 12 : i32
        %parallel_loop3A_198 = vector.broadcast %parallel_loop3A_197 : i32 to vector<16xi32>
        %parallel_loop3A_199 = arith.addi %parallel_loop3A_148, %parallel_loop3A_198 : vector<16xi32>
        %parallel_loop3A_200 = tpu.vector_load_idx %arg14[%parallel_loop3A_199] : memref<2176xf32, #tpu.memory_space<vmem>>[vector<16xi32>], vector<16xf32>,
        %parallel_loop3A_201 = arith.constant 13 : i32
        %parallel_loop3A_202 = vector.broadcast %parallel_loop3A_201 : i32 to vector<16xi32>
        %parallel_loop3A_203 = arith.addi %parallel_loop3A_148, %parallel_loop3A_202 : vector<16xi32>
        %parallel_loop3A_204 = tpu.vector_load_idx %arg14[%parallel_loop3A_203] : memref<2176xf32, #tpu.memory_space<vmem>>[vector<16xi32>], vector<16xf32>,
        %parallel_loop3A_205 = arith.constant 14 : i32
        %parallel_loop3A_206 = vector.broadcast %parallel_loop3A_205 : i32 to vector<16xi32>
        %parallel_loop3A_207 = arith.addi %parallel_loop3A_148, %parallel_loop3A_206 : vector<16xi32>
        %parallel_loop3A_208 = tpu.vector_load_idx %arg14[%parallel_loop3A_207] : memref<2176xf32, #tpu.memory_space<vmem>>[vector<16xi32>], vector<16xf32>,
        %parallel_loop3A_209 = arith.constant 15 : i32
        %parallel_loop3A_210 = vector.broadcast %parallel_loop3A_209 : i32 to vector<16xi32>
        %parallel_loop3A_211 = arith.addi %parallel_loop3A_148, %parallel_loop3A_210 : vector<16xi32>
        %parallel_loop3A_212 = tpu.vector_load_idx %arg14[%parallel_loop3A_211] : memref<2176xf32, #tpu.memory_space<vmem>>[vector<16xi32>], vector<16xf32>,
        %parallel_loop3A_213 = arith.addf %parallel_loop3A_152, %parallel_loop3A_156 : vector<16xf32>
        %parallel_loop3A_214 = arith.addf %parallel_loop3A_160, %parallel_loop3A_164 : vector<16xf32>
        %parallel_loop3A_215 = arith.addf %parallel_loop3A_168, %parallel_loop3A_172 : vector<16xf32>
        %parallel_loop3A_216 = arith.addf %parallel_loop3A_176, %parallel_loop3A_180 : vector<16xf32>
        %parallel_loop3A_217 = arith.addf %parallel_loop3A_184, %parallel_loop3A_188 : vector<16xf32>
        %parallel_loop3A_218 = arith.addf %parallel_loop3A_192, %parallel_loop3A_196 : vector<16xf32>
        %parallel_loop3A_219 = arith.addf %parallel_loop3A_200, %parallel_loop3A_204 : vector<16xf32>
        %parallel_loop3A_220 = arith.addf %parallel_loop3A_208, %parallel_loop3A_212 : vector<16xf32>
        %parallel_loop3A_221 = arith.addf %parallel_loop3A_213, %parallel_loop3A_214 : vector<16xf32>
        %parallel_loop3A_222 = arith.addf %parallel_loop3A_215, %parallel_loop3A_216 : vector<16xf32>
        %parallel_loop3A_223 = arith.addf %parallel_loop3A_217, %parallel_loop3A_218 : vector<16xf32>
        %parallel_loop3A_224 = arith.addf %parallel_loop3A_219, %parallel_loop3A_220 : vector<16xf32>
        %parallel_loop3A_225 = arith.addf %parallel_loop3A_221, %parallel_loop3A_222 : vector<16xf32>
        %parallel_loop3A_226 = arith.addf %parallel_loop3A_223, %parallel_loop3A_224 : vector<16xf32>
        %parallel_loop3A_227 = arith.addf %parallel_loop3A_225, %parallel_loop3A_226 : vector<16xf32>
        %parallel_loop3A_228 = arith.addi %mul3A_127, %parallel_loop3A_142 : i32
        %parallel_loop3A_229 = arith.index_cast %parallel_loop3A_228 : i32 to index
        %parallel_loop3A_230 = tpu.vector_load %arg13[%parallel_loop3A_229] {strides = array<i32>} : memref<512xf32, #tpu.memory_space<vmem>>, vector<16xf32>,
        tpu.vector_store %arg13[%parallel_loop3A_229], %parallel_loop3A_227 {strides = array<i32>} : memref<512xf32, #tpu.memory_space<vmem>>, vector<16xf32>,
      } {sc.loop_unroll_factor = 1 : i64, sc.parallel_access}
      %dma_wait3A_134 = tpu.memref_slice %arg7[%mul3A_115] : memref<512xi32, #tpu.memory_space<vmem>> -> memref<128xi32, #tpu.memory_space<vmem>>
      %dma_wait3A_135 = arith.constant 0 : i32
      %dma_wait3A_136 = arith.constant 0 : i32
      %dma_wait3A_137 = tpu.memref_slice %arg4[%dma_wait3A_135, %dma_wait3A_136] : memref<1000000x128xf32, #tpu.memory_space<hbm>> -> memref<1000000x128xf32, #tpu.memory_space<hbm>>
      tpu.wait_indirect_dma semaphore(%arg15 : memref<!tpu.dma_semaphore, #tpu.memory_space<semaphore_mem>>) src(%dma_wait3A_137 : memref<1000000x128xf32, #tpu.memory_space<hbm>>) dst(%arg9 : memref<128x128xf32, #tpu.memory_space<vmem>>)
      %dma_wait3A_138 = tpu.memref_slice %arg8[%mul3A_115] : memref<512xi32, #tpu.memory_space<vmem>> -> memref<128xi32, #tpu.memory_space<vmem>>
      %dma_wait3A_139 = arith.constant 0 : i32
      %dma_wait3A_140 = arith.constant 0 : i32
      %dma_wait3A_141 = tpu.memref_slice %arg5[%dma_wait3A_139, %dma_wait3A_140] : memref<100000x128xf32, #tpu.memory_space<hbm>> -> memref<100000x128xf32, #tpu.memory_space<hbm>>
      tpu.wait_indirect_dma semaphore(%arg16 : memref<!tpu.dma_semaphore, #tpu.memory_space<semaphore_mem>>) src(%dma_wait3A_141 : memref<100000x128xf32, #tpu.memory_space<hbm>>) dst(%arg10 : memref<128x128xf32, #tpu.memory_space<vmem>>)
    }
    %scan3A_76 = arith.constant 2 : i32
    "tpu.region"() ({
      %run_scoped3A = tpu.sem_alloc : memref<!tpu.dma_semaphore, #tpu.memory_space<semaphore_mem>>
      %dma_start3A_77 = tpu.memref_slice %arg6[%mul3A_2] : memref<16384xf32, #tpu.memory_space<hbm>> -> memref<512xf32, #tpu.memory_space<hbm>>
      %dma_start3A_78 = tpu.memref_slice %arg6[%mul3A_2] : memref<16384xf32, #tpu.memory_space<hbm>> -> memref<512xf32, #tpu.memory_space<hbm>>
      tpu.enqueue_dma source(%arg13 : memref<512xf32, #tpu.memory_space<vmem>>) target(%dma_start3A_78 : memref<512xf32, #tpu.memory_space<hbm>>) target_semaphore(%run_scoped3A : memref<!tpu.dma_semaphore, #tpu.memory_space<semaphore_mem>>)
      %dma_wait3A_79 = tpu.memref_slice %arg6[%mul3A_2] : memref<16384xf32, #tpu.memory_space<hbm>> -> memref<512xf32, #tpu.memory_space<hbm>>
      %dma_wait3A_80 = tpu.memref_slice %arg6[%mul3A_2] : memref<16384xf32, #tpu.memory_space<hbm>> -> memref<512xf32, #tpu.memory_space<hbm>>
      tpu.wait_dma2 semaphore(%run_scoped3A : memref<!tpu.dma_semaphore, #tpu.memory_space<semaphore_mem>>) src(%arg13 : memref<512xf32, #tpu.memory_space<vmem>>) dst(%dma_wait3A_80 : memref<512xf32, #tpu.memory_space<hbm>>)
      tpu.yield
    }) : () -> ()
    return
  }
}

</mosaic_0001>

<sc_bundles>
// kernel: kernel.3.cloned.1.call-start
scs
__scs_entry_jumppad:
0x0: {  	(pc) =	sbr.rel $0x88, $3  }
0x1: {  	(tag) =	ssettag $0x0;
	lr =	simm.s32 $0x1  }
0x2: {  	[smem:$0x3F9D] =	sst lr;
	_ =	strace $0xD0000000  }
0x3: {  	_ = 	snop  }
0x4: {  	_ = 	snop  }
0x5: {  	_ = 	snop  }
0x6: {  	_ = 	snop  }
0x7: {  	_ = 	snop  }
__scs_overlays_trampoline_lowered:
0x8: {  	[smem:$0x3FAC] =	sst s0  }
0x9: {  	[smem:$0x3FAD] =	sst s1  }
0xa: {  	[smem:$0x3FAE] =	sst s2  }
0xb: {  	[smem:$0x3FAF] =	sst s3  }
0xc: {  	[smem:$0x3FB0] =	sst s4  }
0xd: {  	[smem:$0x3FB1] =	sst s5  }
0xe: {  	[smem:$0x3FB2] =	sst s6  }
0xf: {  	[smem:$0x3FB3] =	sst s7  }
0x10: {  	[smem:$0x3FB4] =	sst s8  }
0x11: {  	[smem:$0x3FB5] =	sst s9;
	s0 =	simm.s32 @!p0 $0x0  }
0x12: {  	s1 =	sld [smem:$0x3F9B];
	s0 =	simm.s32 @p0 $0x1  }
0x13: {  	[smem:$0x3FB6] =	sst s0;
	s0 =	simm.s32 @!p1 $0x0  }
0x14: {  	s2 =	sld [smem:$0x3F9A];
	s0 =	simm.s32 @p1 $0x1  }
0x15: {  	[smem:$0x3FB7] =	sst s0;
	s0 =	simm.s32 @!p2 $0x0  }
0x16: {  	s3 =	sld [smem:$0x3FDB];
	s0 =	simm.s32 @p2 $0x1  }
0x17: {  	s4 =	simm.s32 $0x1BF5;
	[smem:$0x3FB9] =	sst s0  }
0x18: {  	s0 =	sld [smem:$0x3F9C];
	_ =	swait.ge [sflag:s4], $0x0  }
0x19: {  	s7 =	sld [smem:$0x3F9D]  }
0x1a: {  	s8 =	sadd.s32 $0xFFFFE003, lr  }
0x1b: {  	s9 =	sadd.s32 $0xFFFFFEF7, lr;
	s5 =	simm.s32 $0xFFFFFFFF;
	p2 =	slt.u32 s8, $0xFFFFF086  }
0x1c: {  	p1 =	slt.u32 s9, $0xF7A;
	s5 =	simm.s32 @!p2 $0x0  }
0x1d: {  	s5 =	simm.s32 @p1 $0x1;
	p0 =	seq.s32 s7, s2  }
0x1e: {  	s7 =	smul.u32 @!p0 $0xF7A, s2;
	p2 =	seq.s32 @!p0 s5, $0x0  }
0x1f: {  	s9 =	smul.u32 $0xF7A, s1;
	s8 =	simm.s32 @!p0 $0x1BF5;
	p2 =	por !p2, p0  }
0x20: {  	[sflag:s8] =	ssyncset.s32 @!p0 $0xFFFFF086;
	s6 =	sadd.s32 @!p0 s3, s7;
	s7 =	simm.s32 @!p0 $0x108  }
0x21: {  	s3 =	sadd.s32 s3, s9;
	s6 =	sadd.s32 @!p0 $0x88, s6;
	s7 =	simm.s32 @p2 $0x1082  }
0x22: {  	[simem:s7], [sflag:s8] =	dma.local @!p0 [hbm:s6], $0xF7A  }
0x23: {  	s9 =	sor.u32 $0xD0000000, s2;
	s6 =	simm.s32 $0x108;
	_ =	swait.ge @!p0 [sflag:s8], $0x0  }
0x24: {  	s3 =	sadd.s32 $0x88, s3;
	s6 =	simm.s32 @!p1 $0x1082;
	[sflag:s4] =	ssyncset.s32 $0xFFFFF086  }
0x25: {  	[simem:s6], [sflag:s4] =	dma.local [hbm:s3], $0xF7A  }
0x26: {  	[smem:$0x3F9D] =	sst s1;
	(tag) =	ssettag s2;
	_ =	strace s9  }
0x27: {  	s1 =	sld [smem:$0x3FAD]  }
0x28: {  	s2 =	sld [smem:$0x3FAE]  }
0x29: {  	s4 =	sld [smem:$0x3FB0]  }
0x2a: {  	p0 =	seq.s32 s5, $0x0;
	s5 =	sld [smem:$0x3FB1]  }
0x2b: {  	s6 =	sld [smem:$0x3FB2]  }
0x2c: {  	s7 =	sld [smem:$0x3FB3]  }
0x2d: {  	s3 =	simm.s32 $0x108;
	s8 =	sld [smem:$0x3FB4]  }
0x2e: {  	s3 =	simm.s32 @!p0 $0x1082;
	s9 =	sld [smem:$0x3FB5]  }
0x2f: {  	lr =	sadd.s32 s0, s3;
	s0 =	sld [smem:$0x3FAC]  }
0x30: {  	s3 =	sld [smem:$0x3FAF]  }
0x31: {  	[smem:$0x3FB8] =	sst s10  }
0x32: {  	s10 =	sld [smem:$0x3FB6];
	_ =	sdelay $0x3  }
0x33: {  	p0 =	seq.s32 s10, $0x1;
	s10 =	sld [smem:$0x3FB8];
	_ =	sdelay $0x3  }
0x34: {  	[smem:$0x3FB8] =	sst s10  }
0x35: {  	s10 =	sld [smem:$0x3FB7];
	_ =	sdelay $0x3  }
0x36: {  	p1 =	seq.s32 s10, $0x1;
	s10 =	sld [smem:$0x3FB8];
	_ =	sdelay $0x3  }
0x37: {  	[smem:$0x3FB8] =	sst s10  }
0x38: {  	s10 =	sld [smem:$0x3FB9]  }
0x39: {  	_ = 	snop;
	(pc) =	sbr.ind lr, $3  }
0x3a: {  	_ = 	snop  }
0x3b: {  	_ = 	snop  }
0x3c: {  	p2 =	seq.s32 s10, $0x1;
	s10 =	sld [smem:$0x3FB8]  }
0x3d: {  	_ =	shalt  }
0x3e: {  	_ =	shalt  }
0x3f: {  	_ =	shalt  }
0x40: {  	_ =	shalt  }
0x41: {  	_ =	shalt  }
0x42: {  	_ =	shalt  }
0x43: {  	_ =	shalt  }
0x44: {  	_ =	shalt  }
0x45: {  	_ =	shalt  }
0x46: {  	_ =	shalt  }
0x47: {  	_ =	shalt  }
0x48: {  	_ =	shalt  }
0x49: {  	_ =	shalt  }
0x4a: {  	_ =	shalt  }
0x4b: {  	_ =	shalt  }
0x4c: {  	_ =	shalt  }
0x4d: {  	_ =	shalt  }
0x4e: {  	_ =	shalt  }
0x4f: {  	_ =	shalt  }
0x50: {  	_ =	shalt  }
0x51: {  	_ =	shalt  }
0x52: {  	_ =	shalt  }
0x53: {  	_ =	shalt  }
0x54: {  	_ =	shalt  }
0x55: {  	_ =	shalt  }
0x56: {  	_ =	shalt  }
0x57: {  	_ =	shalt  }
0x58: {  	_ =	shalt  }
0x59: {  	_ =	shalt  }
0x5a: {  	_ =	shalt  }
0x5b: {  	_ =	shalt  }
0x5c: {  	_ =	shalt  }
0x5d: {  	_ =	shalt  }
0x5e: {  	_ =	shalt  }
0x5f: {  	_ =	shalt  }
0x60: {  	_ =	shalt  }
0x61: {  	_ =	shalt  }
0x62: {  	_ =	shalt  }
0x63: {  	_ =	shalt  }
0x64: {  	_ =	shalt  }
0x65: {  	_ =	shalt  }
0x66: {  	_ =	shalt  }
0x67: {  	_ =	shalt  }
0x68: {  	_ =	shalt  }
0x69: {  	_ =	shalt  }
0x6a: {  	_ =	shalt  }
0x6b: {  	_ =	shalt  }
0x6c: {  	_ =	shalt  }
0x6d: {  	_ =	shalt  }
0x6e: {  	_ =	shalt  }
0x6f: {  	_ =	shalt  }
0x70: {  	_ =	shalt  }
0x71: {  	_ =	shalt  }
0x72: {  	_ =	shalt  }
0x73: {  	_ =	shalt  }
0x74: {  	_ =	shalt  }
0x75: {  	_ =	shalt  }
0x76: {  	_ =	shalt  }
0x77: {  	_ =	shalt  }
0x78: {  	_ =	shalt  }
0x79: {  	_ =	shalt  }
0x7a: {  	_ =	shalt  }
0x7b: {  	_ =	shalt  }
0x7c: {  	_ =	shalt  }
0x7d: {  	_ =	shalt  }
0x7e: {  	_ =	shalt  }
0x7f: {  	_ =	shalt  }
0x80: {  	_ =	shalt  }
0x81: {  	_ =	shalt  }
0x82: {  	_ =	shalt  }
0x83: {  	_ =	shalt  }
0x84: {  	_ =	shalt  }
0x85: {  	_ =	shalt  }
0x86: {  	_ =	shalt  }
0x87: {  	_ =	shalt  }
.Lfunc_end0:
.L_simem_size_0:
called_computation_lowered:
.L_overlay_start_0:
0x88: {  	s2 =	sld [smem:$0x3FD9]  }
0x89: {  	s3 =	sld [smem:$0x3FFE];
	_ =	sdelay $0x1  }
0x8a: {  	s1 =	srdreg.scid  }
0x8b: {  	s0 =	sand.u32 $0x1, s1  }
0x8c: {  	s18 =	sshll.u32 s0, $0xA;
	s2 =	sadd.s32 s3, s2  }
0x8d: {  	s2 =	sadd.s32 s2, s18  }
0x8e: {  	[smem:$0x3FC4] =	sst s2  }
0x8f: {  	_ = 	snop  }
0x90: {  	s2 =	sld [smem:$0x3FC9]  }
0x91: {  	s19 =	sld [smem:$0x3FC8]  }
0x92: {  	s4 =	sld [smem:$0x3FC7]  }
0x93: {  	s5 =	sld [smem:$0x3FC6]  }
0x94: {  	s6 =	sld [smem:$0x3FD0];
	(tm) =	ssettm $0x1  }
0x95: {  	s7 =	sld [smem:$0x3FFB];
	_ =	sdelay $0x3  }
0x96: {  	_ =	strace s7  }
0x97: {  	s7 =	sld [smem:$0x3FFC];
	_ =	sdelay $0x3  }
0x98: {  	_ =	strace s7  }
0x99: {  	s7 =	sld [smem:$0x3FFD];
	_ =	sdelay $0x3  }
0x9a: {  	_ =	strace s7  }
0x9b: {  	_ =	strace $0x8FFFFFFF  }
0x9c: {  	s20 =	sld [smem:$0x3FDB];
	_ =	sdelay $0x1  }
0x9d: {  	s8 =	simm.s32 $_scs_section_size  }
0x9e: {  	s9 =	simm.s32 $_size__tile_overlayer_lowered;
	s10 =	simm.s32 $_tile_overlayer_lowered  }
0x9f: {  	s23 =	simm.s32 $0x1BFF;
	s22 =	sshll.u32 s10, $0x1;
	s7 =	sadd.s32 s8, s20  }
0xa0: {  	s11 =	simm.s32 $0x0;
	s21 =	sshll.u32 s9, $0x1;
	s9 =	sadd.s32 s22, s7  }
0xa1: {  	[timem:s11], [sflag:s23] =	dma.local [hbm:s9], s21  }
0xa2: {  	_ =	swait.ge [sflag:s23], s21  }
0xa3: {  	s8 =	ssub.s32 $0x0, s21;
	[sflag:s23] =	ssyncset.done $0x0  }
0xa4: {  	[sflag:s23] =	ssyncadd.s32 s8;
	_ =	sdelay $0x1  }
0xa5: {  	s24 =	simm.s32 $0x1B8B  }
0xa6: {  	_ =	swait.ge [sflag:s24], $0x1  }
0xa7: {  	[sflag:s24] =	ssyncset.done $0x0  }
0xa8: {  	s25 =	simm.s32 $0x1B8E;
	[sflag:s24] =	ssyncadd.s32 $0xFFFFFFFF  }
0xa9: {  	s26 =	simm.s32 $execute0_lowered;
	[smem:$0x3FD2] =	sst s25  }
0xaa: {  	s8 =	sshll.u32 s26, $0x1;
	_ =	strace $0x80000046;
	[dreg:$0x1] =	wrdreg $0xFFFFFFFF  }
0xab: {  	s28 =	simm.s32 $_size_execute0_lowered;
	s7 =	sadd.s32 s7, s8;
	[dreg:$0x0] =	wrdreg $0x0  }
0xac: {  	s8 =	sshll.u32 s28, $0x1;
	[dreg:$0x2] =	wrdreg s7  }
0xad: {  	[dreg:$0x3] =	wrdreg s8  }
0xae: {  	[dreg:$0x4] =	wrdreg $0xC0  }
0xaf: {  	_ =	task [dreg:s11], $0x5FFFF  }
0xb0: {  	[dreg:$0x1] =	wrdreg $0xFFFFFFFF  }
0xb1: {  	[dreg:$0x0] =	wrdreg $0x60  }
0xb2: {  	[dreg:$0x2] =	wrdreg s2  }
0xb3: {  	[dreg:$0x3] =	wrdreg s19  }
0xb4: {  	[dreg:$0x4] =	wrdreg s4  }
0xb5: {  	[dreg:$0x5] =	wrdreg s5  }
0xb6: {  	[dreg:$0x6] =	wrdreg s6  }
0xb7: {  	[dreg:$0x7] =	wrdreg $0x9  }
0xb8: {  	_ =	task.clear_ibuf [dreg:s11], $0x8FFFF;
	_ =	strace $0x90000046  }
0xb9: {  	s29 =	simm.s32 $0x9;
	_ =	strace $0x80000048  }
0xba: {  	_ =	swait.ge [sflag:s29], $0x1  }
0xbb: {  	[sflag:s29] =	ssyncadd.s32 $0xFFFFFFFF  }
0xbc: {  	_ =	strace $0x90000048  }
0xbd: {  	_ =	sfence  }
0xbe: {  	s30 =	sld [smem:$0x0];
	_ =	sdelay $0x2  }
0xbf: {  	s31 =	sshll.u32 s1, $0xD;
	s1 =	sshrl.u32 s1, $0x2  }
0xc0: {  	s3 =	sand.u32 $0x4000, s31;
	s1 =	sadd.s32 s1, s30  }
0xc1: {  	s0 =	sor.u32 s3, s0;
	s1 =	sshll.u32 s1, $0x11  }
0xc2: {  	s0 =	sor.u32 s1, s0  }
0xc3: {  	s0 =	sadd.s32 $0x8F2B, s0  }
0xc4: {  	[sflag:s0] =	ssyncadd.remote.s32 $0x1  }
0xc5: {  	_ =	sfence.sel $0xFFFF  }
0xc6: {  	[dreg:$0x0] =	wrdreg $0xFFFFFFFF;
	(pc) =	sbr.abs _section_cstart, $3  }
0xc7: {  	[dreg:$0x1] =	wrdreg $0xFFFFFFFF  }
0xc8: {  	_ =	task.clear_ibuf [dreg:s11], $0x2FFFF;
	_ =	strace $0x9FFFFFFF  }
0xc9: {  	(tm) =	ssettm $0x7FFFFFFF  }
tec
execute0_lowered:
.L_overlay_start_1:
0x0: {  	(tag) =	ssettag $0x1  }
0x1: {  	s7 =	rddreg [dreg:$0x0]  }
0x2: {  	s8 =	rddreg [dreg:$0x1]  }
0x3: {  	s1 =	rddreg [dreg:$0x2]  }
0x4: {  	s2 =	rddreg [dreg:$0x3]  }
0x5: {  	s9 =	rddreg [dreg:$0x4]  }
0x6: {  	s0 =	rddreg [dreg:$0x5];
	s5 =	srdreg.scid  }
0x7: {  	s4 =	simm.s32 $0x0;
	s3 =	stileid.u32;
	s13 =	simm.s32 $0x280  }
0x8: {  	s14 =	simm.s32 $0x1;
	s15 =	simm.s32 $0x2;
	s16 =	simm.s32 $0x400  }
0x9: {  	s17 =	simm.s32 $0x4400;
	s18 =	simm.s32 $0x3;
	s19 =	simm.s32 $0x4  }
0xa: {  	v0 =	vlaneseq.u32;
	s20 =	simm.s32 $0x8400;
	s21 =	simm.s32 $0xC400;
	s22 =	simm.s32 $0x10600  }
0xb: {  	s23 =	simm.s32 $0x10400;
	s24 =	simm.s32 $0x5;
	s5 =	sand.u32 $0x1, s5;
	v0 =	vmul.u32 $0x11, v0  }
0xc: {  	s25 =	simm.s32 $0x0;
	s10 =	sshll.u32 s3, $0x7;
	s6 =	ssub.s32 $0x2, s5  }
0xd: {  	[smem:$0x7FF] =	sst s4;
	s5 =	sshll.u32 s5, $0x6;
	s11 =	sshrl.u32 s6, $0x1;
	v1 =	vadd.s32 $0x1, v0;
	v2 =	vadd.s32 $0x2, v0;
	v3 =	vadd.s32 $0x3, v0  }
0xe: {  	_ =	strace $0x80000047;
	s10 =	sor.u32 s5, s10;
	v4 =	vadd.s32 $0x4, v0;
	v5 =	vadd.s32 $0x5, v0;
	v6 =	vadd.s32 $0x6, v0;
	s11 =	ssub.s32 s6, s11  }
0xf: {  	v7 =	vadd.s32 $0x7, v0;
	v8 =	vadd.s32 $0x8, v0;
	v9 =	vadd.s32 $0x9, v0;
	s12 =	sor.u32 $0x10, s10;
	s5 =	sadd.s32 s7, s10;
	s6 =	sadd.s32 s8, s10  }
0x10: {  	v10 =	vadd.s32 $0xA, v0;
	v11 =	vadd.s32 $0xB, v0;
	v12 =	vadd.s32 $0xC, v0;
	s9 =	sadd.s32 s9, s10;
	s7 =	sadd.s32 s7, s12;
	s8 =	sadd.s32 s8, s12  }
0x11: {  	v13 =	vadd.s32 $0xD, v0;
	v14 =	vadd.s32 $0xE, v0;
	v15 =	vadd.s32 $0xF, v0;
	s10 =	smax.u32 s11, $0x1;
	s11 =	simm.s32 $0x200;
	s12 =	simm.s32 $0x80  }
.LBB2_1:
0x12: {  	[tilespmem:s4], [sflag:$0x1] =	stream.linear.gather [hbm4b:s5+s4], $0x80, $0x38;
	[tilespmem:$0x10E80] =	vst v63  }
0x13: {  	_ = 	snop  }
0x14: {  	[tilespmem:s11], [sflag:$0x2] =	stream.linear.gather [hbm4b:s6+s4], $0x80, $0x38;
	[tilespmem:$0x10E80] =	vst v63  }
0x15: {  	_ = 	snop  }
0x16: {  	[tilespmem:s12], [sflag:$0x3] =	stream.linear.gather [hbm4b:s7+s4], $0x180, $0x38;
	[tilespmem:$0x10E80] =	vst v63  }
0x17: {  	_ = 	snop  }
0x18: {  	[tilespmem:s13], [sflag:$0x4] =	stream.linear.gather [hbm4b:s8+s4], $0x180, $0x38;
	[tilespmem:$0x10E80] =	vst v63  }
0x19: {  	_ =	swait.ge [sflag:s14], $0x80  }
0x1a: {  	[sflag:s14] =	ssyncset.done $0x0  }
0x1b: {  	[sflag:s14] =	ssyncadd.s32 $0xFFFFFF80  }
0x1c: {  	_ =	swait.ge [sflag:s15], $0x80  }
0x1d: {  	[sflag:s15] =	ssyncset.done $0x0  }
0x1e: {  	[sflag:s15] =	ssyncadd.s32 $0xFFFFFF80  }
0x1f: {  	[tilespmem:s16], [sflag:$0x1] =	stream.indirect.gather [hbm4b:s1+s12], $0x80, s4, s12, $0xb8;
	[tilespmem:$0x10E80] =	vst v63  }
0x20: {  	_ = 	snop  }
0x21: {  	[tilespmem:s17], [sflag:$0x2] =	stream.indirect.gather [hbm4b:s2+s12], $0x80, s11, s12, $0xb8;
	[tilespmem:$0x10E80] =	vst v63  }
0x22: {  	_ =	swait.ge [sflag:s18], $0x180  }
0x23: {  	[sflag:s18] =	ssyncset.done $0x0  }
0x24: {  	[sflag:s18] =	ssyncadd.s32 $0xFFFFFE80  }
0x25: {  	_ =	swait.ge [sflag:s19], $0x180  }
0x26: {  	[sflag:s19] =	ssyncset.done $0x0  }
0x27: {  	[sflag:s19] =	ssyncadd.s32 $0xFFFFFE80  }
0x28: {  	_ =	swait.ge [sflag:s14], $0x4000  }
0x29: {  	[sflag:s14] =	ssyncset.done $0x0  }
0x2a: {  	[sflag:s14] =	ssyncadd.s32 $0xFFFFC000  }
0x2b: {  	_ =	swait.ge [sflag:s15], $0x4000  }
0x2c: {  	[sflag:s15] =	ssyncset.done $0x0  }
0x2d: {  	p1 =	por $0x1, $0x1;
	s26 =	simm.s32 $0x0;
	[sflag:s15] =	ssyncadd.s32 $0xFFFFC000  }
.LBB2_2:
0x2e: {  	s28 =	sshll.u32 s26, $0x8  }
0x2f: {  	s29 =	sor.u32 $0x80, s28  }
0x30: {  	[tilespmem:s20], [sflag:$0x3] =	stream.indirect.gather [hbm4b:s1+s12], $0x80, s29, s12, $0xb8;
	[tilespmem:$0x10E80] =	vst v63  }
0x31: {  	s30 =	simm.s32 $0x0;
	s28 =	sadd.s32 $0x280, s28  }
0x32: {  	[tilespmem:s21], [sflag:$0x4] =	stream.indirect.gather [hbm4b:s2+s12], $0x80, s28, s12, $0xb8;
	[tilespmem:$0x10E80] =	vst v63  }
0x33: {  	v18 =	vld [tilespmem:s30+$0x400]  }
0x34: {  	v19 =	vld [tilespmem:s30+$0x4400]  }
0x35: {  	v21 =	vld [tilespmem:s30+$0x410]  }
0x36: {  	v22 =	vld [tilespmem:s30+$0x4410]  }
0x37: {  	v23 =	vld [tilespmem:s30+$0x420]  }
0x38: {  	v24 =	vld [tilespmem:s30+$0x4420]  }
0x39: {  	v25 =	vld [tilespmem:s30+$0x430]  }
0x3a: {  	v26 =	vld [tilespmem:s30+$0x4430]  }
0x3b: {  	v27 =	vld [tilespmem:s30+$0x440]  }
0x3c: {  	v28 =	vld [tilespmem:s30+$0x4440]  }
0x3d: {  	v29 =	vld [tilespmem:s30+$0x450]  }
0x3e: {  	v30 =	vld [tilespmem:s30+$0x4450]  }
0x3f: {  	v31 =	vld [tilespmem:s30+$0x460]  }
0x40: {  	v32 =	vld [tilespmem:s30+$0x4460]  }
0x41: {  	v33 =	vld [tilespmem:s30+$0x470]  }
0x42: {  	s29 =	simm.s32 $0x80;
	v34 =	vld [tilespmem:s30+$0x4470]  }
0x43: {  	v20 =	vld [tilespmem:s29+$0x400]  }
0x44: {  	v16 =	vld [tilespmem:s29+$0x4400]  }
0x45: {  	v17 =	vld [tilespmem:s29+$0x410]  }
0x46: {  	v35 =	vmul.f32 v19, v18;
	v36 =	vmul.f32 v22, v21;
	v18 =	vld [tilespmem:s29+$0x4410]  }
0x47: {  	v23 =	vmul.f32 v24, v23;
	v24 =	vmul.f32 v26, v25;
	v19 =	vld [tilespmem:s29+$0x420]  }
0x48: {  	v25 =	vmul.f32 v28, v27;
	v26 =	vmul.f32 v30, v29;
	v21 =	vld [tilespmem:s29+$0x4420]  }
0x49: {  	v27 =	vmul.f32 v32, v31;
	v28 =	vmul.f32 v34, v33;
	v22 =	vld [tilespmem:s29+$0x430]  }
0x4a: {  	v29 =	vadd.f32 v36, v35;
	v30 =	vadd.f32 v24, v23;
	v23 =	vld [tilespmem:s29+$0x4430]  }
0x4b: {  	v26 =	vadd.f32 v26, v25;
	v27 =	vadd.f32 v28, v27;
	v24 =	vld [tilespmem:s29+$0x440]  }
0x4c: {  	v25 =	vld [tilespmem:s29+$0x4440]  }
0x4d: {  	v28 =	vadd.f32 v30, v29;
	v29 =	vadd.f32 v27, v26;
	v26 =	vld [tilespmem:s29+$0x450]  }
0x4e: {  	v27 =	vld [tilespmem:s29+$0x4450]  }
0x4f: {  	v30 =	vadd.f32 v29, v28;
	v28 =	vld [tilespmem:s29+$0x460]  }
0x50: {  	s28 =	simm.s32 $0x10600;
	v29 =	vld [tilespmem:s29+$0x4460]  }
0x51: {  	p0 =	por p1, p1;
	s30 =	simm.s32 $0x400;
	[tilespmem:s28+$0x0] =	vst v30;
	v30 =	vld [tilespmem:s29+$0x470]  }
.LBB2_3:
0x52: {  	p1 =	seq.s32 s30, $0xFE00;
	v31 =	vld [tilespmem:s29+$0x4470];
	s29 =	sshra.s32 s30, $0x2  }
0x53: {  	v32 =	vld [tilespmem:s29+$0x400]  }
0x54: {  	v20 =	vmul.f32 v16, v20;
	v33 =	vmul.f32 v18, v17;
	v16 =	vld [tilespmem:s29+$0x4400]  }
0x55: {  	v34 =	vmul.f32 v21, v19;
	v22 =	vmul.f32 v23, v22;
	v17 =	vld [tilespmem:s29+$0x410]  }
0x56: {  	v23 =	vmul.f32 v25, v24;
	v24 =	vmul.f32 v27, v26;
	v18 =	vld [tilespmem:s29+$0x4410]  }
0x57: {  	v25 =	vmul.f32 v29, v28;
	v19 =	vld [tilespmem:s29+$0x420];
	v26 =	vmul.f32 v31, v30  }
0x58: {  	v27 =	vadd.f32 v33, v20;
	v28 =	vadd.f32 v22, v34;
	v21 =	vld [tilespmem:s29+$0x4420];
	v20 =	vmov v32  }
0x59: {  	v29 =	vadd.f32 v24, v23;
	v22 =	vld [tilespmem:s29+$0x430];
	v25 =	vadd.f32 v26, v25  }
0x5a: {  	v23 =	vld [tilespmem:s29+$0x4430]  }
0x5b: {  	v27 =	vadd.f32 v28, v27;
	v24 =	vld [tilespmem:s29+$0x440];
	v28 =	vadd.f32 v25, v29  }
0x5c: {  	v25 =	vld [tilespmem:s29+$0x4440]  }
.Ltmp0:
0x5d: {  	v26 =	vld [tilespmem:s29+$0x450];
	v29 =	vadd.f32 v28, v27;
	(pc) =	sbr.rel @!p1 .LBB2_3-.Ltmp0, $4  }
0x5e: {  	s28 =	sadd.s32 $0x11, s28;
	v27 =	vld [tilespmem:s29+$0x4450]  }
0x5f: {  	v28 =	vld [tilespmem:s29+$0x460];
	[tilespmem:s28+$0x0] =	vst v29  }
0x60: {  	v29 =	vld [tilespmem:s29+$0x4460]  }
0x61: {  	s30 =	sadd.s32 $0x200, s30;
	v30 =	vld [tilespmem:s29+$0x470]  }
0x62: {  	v31 =	vld [tilespmem:s29+$0x4470];
	_ =	sdelay $0x1  }
0x63: {  	v16 =	vmul.f32 v16, v20;
	v17 =	vmul.f32 v18, v17  }
0x64: {  	v18 =	vmul.f32 v21, v19;
	v19 =	vmul.f32 v23, v22  }
0x65: {  	v20 =	vmul.f32 v25, v24;
	v21 =	vmul.f32 v27, v26  }
0x66: {  	v22 =	vmul.f32 v29, v28;
	v23 =	vmul.f32 v31, v30  }
0x67: {  	v16 =	vadd.f32 v17, v16;
	v17 =	vadd.f32 v19, v18  }
0x68: {  	v18 =	vadd.f32 v21, v20;
	v19 =	vadd.f32 v23, v22;
	_ =	sdelay $0x1  }
0x69: {  	v16 =	vadd.f32 v17, v16;
	v17 =	vadd.f32 v19, v18;
	_ =	sdelay $0x1  }
0x6a: {  	v16 =	vadd.f32 v17, v16  }
0x6b: {  	s28 =	sadd.s32 $0x11, s28;
	s30 =	simm.s32 $0x0  }
0x6c: {  	[tilespmem:s28+$0x0] =	vst v16;
	v16 =	vmov s30  }
0x6d: {  	v16 =	vmul.u32 $0x11, v16;
	_ =	sdelay $0x1  }
0x6e: {  	v16 =	vbroadcast v16, $0x0;
	_ =	sdelay $0x1  }
0x6f: {  	v17 =	vadd.s32 v0, v16  }
0x70: {  	v18 =	vadd.s32 v1, v16  }
0x71: {  	v19 =	vadd.s32 v2, v16  }
0x72: {  	v20 =	vadd.s32 v3, v16  }
0x73: {  	v21 =	vadd.s32 v4, v16  }
0x74: {  	v22 =	vadd.s32 v5, v16;
	v17 =	vld.idx.msk [tilespmem:v17+s22+$0x0], $0xffff  }
0x75: {  	v23 =	vadd.s32 v6, v16;
	v18 =	vld.idx.msk [tilespmem:v18+s22+$0x0], $0xffff  }
0x76: {  	v24 =	vadd.s32 v7, v16;
	v19 =	vld.idx.msk [tilespmem:v19+s22+$0x0], $0xffff  }
0x77: {  	s30 =	simm.s32 $0x10;
	v25 =	vadd.s32 v8, v16;
	v20 =	vld.idx.msk [tilespmem:v20+s22+$0x0], $0xffff  }
0x78: {  	v28 =	vmov s30;
	v29 =	vadd.s32 v11, v16;
	v26 =	vld.idx.msk [tilespmem:v21+s22+$0x0], $0xffff  }
0x79: {  	v28 =	vmul.u32 $0x11, v28;
	v30 =	vadd.s32 v12, v16;
	v27 =	vld.idx.msk [tilespmem:v22+s22+$0x0], $0xffff  }
0x7a: {  	v21 =	vadd.s32 v9, v16;
	v23 =	vld.idx.msk [tilespmem:v23+s22+$0x0], $0xffff  }
0x7b: {  	v32 =	vbroadcast v28, $0x0;
	v31 =	vadd.s32 v13, v16;
	v24 =	vld.idx.msk [tilespmem:v24+s22+$0x0], $0xffff  }
0x7c: {  	v22 =	vadd.s32 v10, v16;
	v25 =	vld.idx.msk [tilespmem:v25+s22+$0x0], $0xffff  }
0x7d: {  	v36 =	vadd.s32 v3, v32;
	v29 =	vld.idx.msk [tilespmem:v29+s22+$0x0], $0xffff  }
0x7e: {  	v38 =	vadd.s32 v4, v32;
	v30 =	vld.idx.msk [tilespmem:v30+s22+$0x0], $0xffff  }
0x7f: {  	v28 =	vld.idx.msk [tilespmem:v21+s22+$0x0], $0xffff;
	v21 =	vadd.s32 v14, v16  }
0x80: {  	v31 =	vld.idx.msk [tilespmem:v31+s22+$0x0], $0xffff;
	v16 =	vadd.s32 v15, v16  }
0x81: {  	v40 =	vadd.s32 v5, v32;
	v33 =	vld.idx.msk [tilespmem:v22+s22+$0x0], $0xffff  }
0x82: {  	v56 =	vadd.s32 v6, v32;
	v42 =	vadd.f32 v18, v17;
	v17 =	vld.idx.msk [tilespmem:v36+s22+$0x0], $0xffff  }
0x83: {  	v57 =	vadd.s32 v7, v32;
	v18 =	vld.idx.msk [tilespmem:v38+s22+$0x0], $0xffff  }
0x84: {  	v22 =	vadd.s32 v0, v32;
	v37 =	vld.idx.msk [tilespmem:v21+s22+$0x0], $0xffff  }
0x85: {  	v34 =	vadd.s32 v1, v32;
	v39 =	vld.idx.msk [tilespmem:v16+s22+$0x0], $0xffff  }
0x86: {  	s30 =	simm.s32 $0x20;
	v35 =	vadd.s32 v2, v32;
	v43 =	vadd.f32 v20, v19;
	v19 =	vld.idx.msk [tilespmem:v40+s22+$0x0], $0xffff  }
0x87: {  	v41 =	vmov s30;
	v26 =	vadd.f32 v27, v26;
	v27 =	vadd.s32 v9, v32;
	v20 =	vld.idx.msk [tilespmem:v56+s22+$0x0], $0xffff  }
0x88: {  	v62 =	vmul.u32 $0x11, v41;
	v58 =	vadd.s32 v8, v32;
	v23 =	vadd.f32 v24, v23;
	v24 =	vld.idx.msk [tilespmem:v57+s22+$0x0], $0xffff  }
0x89: {  	v21 =	vld.idx.msk [tilespmem:v22+s22+$0x0], $0xffff;
	v25 =	vadd.f32 v28, v25;
	v28 =	vadd.f32 v29, v33;
	v29 =	vadd.s32 v10, v32  }
0x8a: {  	v61 =	vadd.s32 v12, v32;
	v30 =	vadd.f32 v31, v30;
	v22 =	vld.idx.msk [tilespmem:v34+s22+$0x0], $0xffff;
	v31 =	vadd.f32 v39, v37  }
0x8b: {  	v59 =	vadd.s32 v11, v32;
	v60 =	vadd.f32 v43, v42;
	v23 =	vadd.f32 v23, v26;
	v16 =	vld.idx.msk [tilespmem:v35+s22+$0x0], $0xffff  }
0x8c: {  	v26 =	vld.idx.msk [tilespmem:v27+s22+$0x0], $0xffff;
	v28 =	vadd.f32 v28, v25;
	v30 =	vadd.f32 v31, v30;
	v31 =	vadd.s32 v13, v32  }
0x8d: {  	v63 =	vadd.s32 v14, v32;
	v34 =	vadd.f32 v23, v60;
	v23 =	vbroadcast v62, $0x0;
	v25 =	vld.idx.msk [tilespmem:v58+s22+$0x0], $0xffff  }
0x8e: {  	v35 =	vadd.s32 v15, v32;
	v27 =	vld.idx.msk [tilespmem:v29+s22+$0x0], $0xffff;
	v30 =	vadd.f32 v30, v28  }
0x8f: {  	s28 =	sshll.u32 s26, $0xA;
	v36 =	vadd.s32 v0, v23;
	v29 =	vld.idx.msk [tilespmem:v61+s22+$0x0], $0xffff  }
0x90: {  	s28 =	sshra.s32 s28, $0x2;
	v33 =	vadd.s32 v1, v23;
	v28 =	vld.idx.msk [tilespmem:v59+s22+$0x0], $0xffff;
	v34 =	vadd.f32 v30, v34  }
0x91: {  	s29 =	sadd.s32 $0x10400, s28;
	v32 =	vadd.s32 v2, v23;
	v30 =	vld.idx.msk [tilespmem:v31+s22+$0x0], $0xffff  }
0x92: {  	v31 =	vld.idx.msk [tilespmem:v63+s22+$0x0], $0xffff;
	[tilespmem:s29+$0x0] =	vst v34;
	v34 =	vadd.s32 v3, v23  }
.LBB2_5:
0x93: {  	s30 =	sadd.s32 $0x10, s30;
	v37 =	vadd.s32 v4, v23;
	v35 =	vld.idx.msk [tilespmem:v35+s22+$0x0], $0xffff  }
0x94: {  	v39 =	vadd.s32 v5, v23;
	v38 =	vmov s30;
	v36 =	vld.idx.msk [tilespmem:v36+s22+$0x0], $0xffff  }
0x95: {  	v40 =	vadd.s32 v6, v23;
	v38 =	vmul.u32 $0x11, v38;
	v33 =	vld.idx.msk [tilespmem:v33+s22+$0x0], $0xffff  }
0x96: {  	v41 =	vadd.s32 v7, v23;
	v21 =	vadd.f32 v22, v21;
	v22 =	vadd.f32 v17, v16;
	v16 =	vld.idx.msk [tilespmem:v32+s22+$0x0], $0xffff  }
0x97: {  	v24 =	vadd.f32 v24, v20;
	v32 =	vadd.s32 v8, v23;
	v17 =	vld.idx.msk [tilespmem:v34+s22+$0x0], $0xffff;
	v34 =	vadd.f32 v19, v18  }
0x98: {  	v25 =	vadd.f32 v26, v25;
	p1 =	slt.u32 s30, $0x70;
	v26 =	vadd.f32 v28, v27;
	v18 =	vld.idx.msk [tilespmem:v37+s22+$0x0], $0xffff;
	v37 =	vadd.s32 v9, v23  }
0x99: {  	v27 =	vadd.s32 v10, v23;
	v28 =	vadd.f32 v30, v29;
	v29 =	vadd.f32 v35, v31;
	v19 =	vld.idx.msk [tilespmem:v39+s22+$0x0], $0xffff  }
0x9a: {  	v30 =	vadd.s32 v11, v23;
	v31 =	vadd.f32 v22, v21;
	v34 =	vadd.f32 v24, v34;
	v20 =	vld.idx.msk [tilespmem:v40+s22+$0x0], $0xffff  }
0x9b: {  	v35 =	vadd.f32 v26, v25;
	v39 =	vadd.s32 v12, v23;
	v28 =	vadd.f32 v29, v28;
	v24 =	vld.idx.msk [tilespmem:v41+s22+$0x0], $0xffff  }
0x9c: {  	v21 =	vmovc v36;
	v29 =	vbroadcast v38, $0x0;
	v38 =	vadd.s32 v13, v23;
	v22 =	vmov v33;
	v25 =	vld.idx.msk [tilespmem:v32+s22+$0x0], $0xffff  }
0x9d: {  	v31 =	vadd.f32 v34, v31;
	v32 =	vadd.f32 v28, v35;
	v26 =	vld.idx.msk [tilespmem:v37+s22+$0x0], $0xffff;
	v37 =	vadd.s32 v14, v23  }
.Ltmp1:
0x9e: {  	v35 =	vadd.s32 v15, v23;
	v23 =	vmov v29;
	v27 =	vld.idx.msk [tilespmem:v27+s22+$0x0], $0xffff;
	(pc) =	sbr.rel @p1 .LBB2_5-.Ltmp1, $4  }
0x9f: {  	v36 =	vadd.s32 v0, v23;
	v31 =	vadd.f32 v32, v31;
	v28 =	vld.idx.msk [tilespmem:v30+s22+$0x0], $0xffff  }
0xa0: {  	s29 =	sadd.s32 $0x10, s29;
	v33 =	vadd.s32 v1, v23;
	v29 =	vld.idx.msk [tilespmem:v39+s22+$0x0], $0xffff  }
0xa1: {  	v32 =	vadd.s32 v2, v23;
	v30 =	vld.idx.msk [tilespmem:v38+s22+$0x0], $0xffff;
	[tilespmem:s29+$0x0] =	vst v31  }
0xa2: {  	v34 =	vadd.s32 v3, v23;
	v31 =	vld.idx.msk [tilespmem:v37+s22+$0x0], $0xffff  }
0xa3: {  	_ =	sdelay $0x3  }
0xa4: {  	v37 =	vadd.s32 v4, v23;
	v35 =	vld.idx.msk [tilespmem:v35+s22+$0x0], $0xffff  }
0xa5: {  	v36 =	vld.idx.msk [tilespmem:v36+s22+$0x0], $0xffff;
	v38 =	vadd.s32 v5, v23  }
0xa6: {  	v33 =	vld.idx.msk [tilespmem:v33+s22+$0x0], $0xffff;
	v39 =	vadd.s32 v6, v23  }
0xa7: {  	v32 =	vld.idx.msk [tilespmem:v32+s22+$0x0], $0xffff;
	v40 =	vadd.s32 v7, v23  }
0xa8: {  	v34 =	vld.idx.msk [tilespmem:v34+s22+$0x0], $0xffff;
	v41 =	vadd.s32 v8, v23  }
0xa9: {  	v42 =	vadd.s32 v9, v23;
	v37 =	vld.idx.msk [tilespmem:v37+s22+$0x0], $0xffff  }
0xaa: {  	v43 =	vadd.s32 v10, v23;
	v38 =	vld.idx.msk [tilespmem:v38+s22+$0x0], $0xffff  }
0xab: {  	v44 =	vadd.s32 v11, v23;
	v39 =	vld.idx.msk [tilespmem:v39+s22+$0x0], $0xffff  }
0xac: {  	v45 =	vadd.s32 v12, v23;
	v40 =	vld.idx.msk [tilespmem:v40+s22+$0x0], $0xffff  }
0xad: {  	v46 =	vadd.s32 v13, v23;
	v41 =	vld.idx.msk [tilespmem:v41+s22+$0x0], $0xffff  }
0xae: {  	v47 =	vadd.s32 v14, v23;
	v42 =	vld.idx.msk [tilespmem:v42+s22+$0x0], $0xffff  }
0xaf: {  	v23 =	vadd.s32 v15, v23;
	v43 =	vld.idx.msk [tilespmem:v43+s22+$0x0], $0xffff  }
0xb0: {  	v21 =	vadd.f32 v22, v21;
	v16 =	vadd.f32 v17, v16;
	v17 =	vld.idx.msk [tilespmem:v44+s22+$0x0], $0xffff  }
0xb1: {  	v18 =	vadd.f32 v19, v18;
	v19 =	vadd.f32 v24, v20;
	v20 =	vld.idx.msk [tilespmem:v45+s22+$0x0], $0xffff  }
0xb2: {  	v22 =	vadd.f32 v26, v25;
	v24 =	vadd.f32 v28, v27;
	v25 =	vld.idx.msk [tilespmem:v46+s22+$0x0], $0xffff  }
0xb3: {  	v16 =	vadd.f32 v16, v21;
	v18 =	vadd.f32 v19, v18;
	v28 =	vld.idx.msk [tilespmem:v47+s22+$0x0], $0xffff  }
0xb4: {  	v26 =	vadd.f32 v30, v29;
	v27 =	vadd.f32 v35, v31;
	v19 =	vld.idx.msk [tilespmem:v23+s22+$0x0], $0xffff  }
0xb5: {  	v21 =	vadd.f32 v24, v22;
	v23 =	vadd.f32 v33, v36  }
0xb6: {  	v24 =	vadd.f32 v34, v32;
	v22 =	vadd.f32 v27, v26  }
0xb7: {  	v26 =	vadd.f32 v38, v37;
	v27 =	vadd.f32 v40, v39  }
0xb8: {  	v29 =	vadd.f32 v42, v41;
	v17 =	vadd.f32 v17, v43  }
0xb9: {  	v20 =	vadd.f32 v25, v20;
	v19 =	vadd.f32 v19, v28  }
0xba: {  	v23 =	vadd.f32 v24, v23;
	v24 =	vadd.f32 v27, v26  }
0xbb: {  	v17 =	vadd.f32 v17, v29;
	v19 =	vadd.f32 v19, v20  }
0xbc: {  	v16 =	vadd.f32 v18, v16;
	v18 =	vadd.f32 v22, v21  }
0xbd: {  	v20 =	vadd.f32 v24, v23;
	v17 =	vadd.f32 v19, v17  }
0xbe: {  	v16 =	vadd.f32 v18, v16  }
0xbf: {  	s29 =	sadd.s32 $0x10, s29;
	v17 =	vadd.f32 v17, v20  }
0xc0: {  	[tilespmem:s29+$0x0] =	vst v16;
	s29 =	sadd.s32 $0x10, s29  }
0xc1: {  	[tilespmem:s29+$0x0] =	vst v17  }
0xc2: {  	_ =	swait.ge [sflag:s18], $0x4000  }
0xc3: {  	[sflag:s18] =	ssyncset.done $0x0  }
0xc4: {  	[sflag:s18] =	ssyncadd.s32 $0xFFFFC000  }
0xc5: {  	_ =	swait.ge [sflag:s19], $0x4000  }
0xc6: {  	s26 =	sshll.u32 s26, $0x7;
	[sflag:s19] =	ssyncset.done $0x0  }
0xc7: {  	s29 =	sor.u32 $0x100, s26;
	[sflag:s19] =	ssyncadd.s32 $0xFFFFC000  }
0xc8: {  	[tilespmem:s16], [sflag:$0x1] =	stream.indirect.gather [hbm4b:s1+s12], $0x80, s29, s12, $0xb8;
	[tilespmem:$0x10E80] =	vst v63  }
0xc9: {  	s30 =	simm.s32 $0x0;
	s26 =	sadd.s32 $0x300, s26  }
0xca: {  	[tilespmem:s17], [sflag:$0x2] =	stream.indirect.gather [hbm4b:s2+s12], $0x80, s26, s12, $0xb8;
	[tilespmem:$0x10E80] =	vst v63  }
0xcb: {  	v18 =	vld [tilespmem:s30+$0x8400]  }
0xcc: {  	v19 =	vld [tilespmem:s30+$0xC400]  }
0xcd: {  	v21 =	vld [tilespmem:s30+$0x8410]  }
0xce: {  	v22 =	vld [tilespmem:s30+$0xC410]  }
0xcf: {  	v23 =	vld [tilespmem:s30+$0x8420]  }
0xd0: {  	v24 =	vld [tilespmem:s30+$0xC420]  }
0xd1: {  	v25 =	vld [tilespmem:s30+$0x8430]  }
0xd2: {  	v26 =	vld [tilespmem:s30+$0xC430]  }
0xd3: {  	v27 =	vld [tilespmem:s30+$0x8440]  }
0xd4: {  	v28 =	vld [tilespmem:s30+$0xC440]  }
0xd5: {  	v29 =	vld [tilespmem:s30+$0x8450]  }
0xd6: {  	v30 =	vld [tilespmem:s30+$0xC450]  }
0xd7: {  	v31 =	vld [tilespmem:s30+$0x8460]  }
0xd8: {  	v59 =	vld [tilespmem:s30+$0xC460]  }
0xd9: {  	v60 =	vld [tilespmem:s30+$0x8470]  }
0xda: {  	s29 =	simm.s32 $0x80;
	v61 =	vld [tilespmem:s30+$0xC470]  }
0xdb: {  	v20 =	vld [tilespmem:s29+$0x8400]  }
0xdc: {  	v16 =	vld [tilespmem:s29+$0xC400]  }
0xdd: {  	v17 =	vld [tilespmem:s29+$0x8410]  }
0xde: {  	v62 =	vmul.f32 v19, v18;
	v63 =	vmul.f32 v22, v21;
	v18 =	vld [tilespmem:s29+$0xC410]  }
0xdf: {  	v23 =	vmul.f32 v24, v23;
	v24 =	vmul.f32 v26, v25;
	v19 =	vld [tilespmem:s29+$0x8420]  }
0xe0: {  	v25 =	vmul.f32 v28, v27;
	v26 =	vmul.f32 v30, v29;
	v21 =	vld [tilespmem:s29+$0xC420]  }
0xe1: {  	v27 =	vmul.f32 v59, v31;
	v28 =	vmul.f32 v61, v60;
	v22 =	vld [tilespmem:s29+$0x8430]  }
0xe2: {  	v29 =	vadd.f32 v63, v62;
	v30 =	vadd.f32 v24, v23;
	v23 =	vld [tilespmem:s29+$0xC430]  }
0xe3: {  	v26 =	vadd.f32 v26, v25;
	v27 =	vadd.f32 v28, v27;
	v24 =	vld [tilespmem:s29+$0x8440]  }
0xe4: {  	v25 =	vld [tilespmem:s29+$0xC440]  }
0xe5: {  	v28 =	vadd.f32 v30, v29;
	v29 =	vadd.f32 v27, v26;
	v26 =	vld [tilespmem:s29+$0x8450]  }
0xe6: {  	v27 =	vld [tilespmem:s29+$0xC450]  }
0xe7: {  	v30 =	vadd.f32 v29, v28;
	v28 =	vld [tilespmem:s29+$0x8460]  }
0xe8: {  	s26 =	simm.s32 $0x10600;
	v29 =	vld [tilespmem:s29+$0xC460]  }
0xe9: {  	s30 =	simm.s32 $0x400;
	[tilespmem:s26+$0x0] =	vst v30;
	v30 =	vld [tilespmem:s29+$0x8470]  }
.LBB2_7:
0xea: {  	p1 =	seq.s32 s30, $0xFE00;
	v31 =	vld [tilespmem:s29+$0xC470];
	s29 =	sshra.s32 s30, $0x2  }
0xeb: {  	v32 =	vld [tilespmem:s29+$0x8400]  }
0xec: {  	v20 =	vmul.f32 v16, v20;
	v33 =	vmul.f32 v18, v17;
	v16 =	vld [tilespmem:s29+$0xC400]  }
0xed: {  	v34 =	vmul.f32 v21, v19;
	v22 =	vmul.f32 v23, v22;
	v17 =	vld [tilespmem:s29+$0x8410]  }
0xee: {  	v23 =	vmul.f32 v25, v24;
	v24 =	vmul.f32 v27, v26;
	v18 =	vld [tilespmem:s29+$0xC410]  }
0xef: {  	v25 =	vmul.f32 v29, v28;
	v19 =	vld [tilespmem:s29+$0x8420];
	v26 =	vmul.f32 v31, v30  }
0xf0: {  	v27 =	vadd.f32 v33, v20;
	v28 =	vadd.f32 v22, v34;
	v21 =	vld [tilespmem:s29+$0xC420];
	v20 =	vmov v32  }
0xf1: {  	v29 =	vadd.f32 v24, v23;
	v22 =	vld [tilespmem:s29+$0x8430];
	v25 =	vadd.f32 v26, v25  }
0xf2: {  	v23 =	vld [tilespmem:s29+$0xC430]  }
0xf3: {  	v27 =	vadd.f32 v28, v27;
	v24 =	vld [tilespmem:s29+$0x8440];
	v28 =	vadd.f32 v25, v29  }
0xf4: {  	v25 =	vld [tilespmem:s29+$0xC440]  }
.Ltmp2:
0xf5: {  	v26 =	vld [tilespmem:s29+$0x8450];
	v29 =	vadd.f32 v28, v27;
	(pc) =	sbr.rel @!p1 .LBB2_7-.Ltmp2, $4  }
0xf6: {  	s26 =	sadd.s32 $0x11, s26;
	v27 =	vld [tilespmem:s29+$0xC450]  }
0xf7: {  	v28 =	vld [tilespmem:s29+$0x8460];
	[tilespmem:s26+$0x0] =	vst v29  }
0xf8: {  	v29 =	vld [tilespmem:s29+$0xC460]  }
0xf9: {  	s30 =	sadd.s32 $0x200, s30;
	v30 =	vld [tilespmem:s29+$0x8470]  }
0xfa: {  	v31 =	vld [tilespmem:s29+$0xC470];
	_ =	sdelay $0x1  }
0xfb: {  	v16 =	vmul.f32 v16, v20;
	v17 =	vmul.f32 v18, v17  }
0xfc: {  	v18 =	vmul.f32 v21, v19;
	v19 =	vmul.f32 v23, v22  }
0xfd: {  	v20 =	vmul.f32 v25, v24;
	v21 =	vmul.f32 v27, v26  }
0xfe: {  	v22 =	vmul.f32 v29, v28;
	v23 =	vmul.f32 v31, v30  }
0xff: {  	v16 =	vadd.f32 v17, v16;
	v17 =	vadd.f32 v19, v18  }
0x100: {  	v18 =	vadd.f32 v21, v20;
	v19 =	vadd.f32 v23, v22;
	_ =	sdelay $0x1  }
0x101: {  	v16 =	vadd.f32 v17, v16;
	v17 =	vadd.f32 v19, v18;
	_ =	sdelay $0x1  }
0x102: {  	v16 =	vadd.f32 v17, v16  }
0x103: {  	s26 =	sadd.s32 $0x11, s26  }
0x104: {  	[tilespmem:s26+$0x0] =	vst v16;
	s26 =	sadd.s32 $0x10480, s28;
	s28 =	simm.s32 $0x0  }
0x105: {  	v16 =	vmov s28  }
0x106: {  	v16 =	vmul.u32 $0x11, v16;
	_ =	sdelay $0x1  }
0x107: {  	v16 =	vbroadcast v16, $0x0;
	_ =	sdelay $0x1  }
0x108: {  	v17 =	vadd.s32 v0, v16  }
0x109: {  	v18 =	vadd.s32 v1, v16  }
0x10a: {  	v19 =	vadd.s32 v2, v16  }
0x10b: {  	v20 =	vadd.s32 v3, v16  }
0x10c: {  	v21 =	vadd.s32 v4, v16  }
0x10d: {  	v22 =	vadd.s32 v5, v16;
	v17 =	vld.idx.msk [tilespmem:v17+s22+$0x0], $0xffff  }
0x10e: {  	v23 =	vadd.s32 v6, v16;
	v18 =	vld.idx.msk [tilespmem:v18+s22+$0x0], $0xffff  }
0x10f: {  	v24 =	vadd.s32 v7, v16;
	v19 =	vld.idx.msk [tilespmem:v19+s22+$0x0], $0xffff  }
0x110: {  	s28 =	simm.s32 $0x10;
	v25 =	vadd.s32 v8, v16;
	v20 =	vld.idx.msk [tilespmem:v20+s22+$0x0], $0xffff  }
0x111: {  	v28 =	vmov s28;
	v29 =	vadd.s32 v11, v16;
	v26 =	vld.idx.msk [tilespmem:v21+s22+$0x0], $0xffff  }
0x112: {  	v28 =	vmul.u32 $0x11, v28;
	v30 =	vadd.s32 v12, v16;
	v27 =	vld.idx.msk [tilespmem:v22+s22+$0x0], $0xffff  }
0x113: {  	v21 =	vadd.s32 v9, v16;
	v23 =	vld.idx.msk [tilespmem:v23+s22+$0x0], $0xffff  }
0x114: {  	v32 =	vbroadcast v28, $0x0;
	v31 =	vadd.s32 v13, v16;
	v24 =	vld.idx.msk [tilespmem:v24+s22+$0x0], $0xffff  }
0x115: {  	v22 =	vadd.s32 v10, v16;
	v25 =	vld.idx.msk [tilespmem:v25+s22+$0x0], $0xffff  }
0x116: {  	v36 =	vadd.s32 v3, v32;
	v29 =	vld.idx.msk [tilespmem:v29+s22+$0x0], $0xffff  }
0x117: {  	v38 =	vadd.s32 v4, v32;
	v30 =	vld.idx.msk [tilespmem:v30+s22+$0x0], $0xffff  }
0x118: {  	v28 =	vld.idx.msk [tilespmem:v21+s22+$0x0], $0xffff;
	v21 =	vadd.s32 v14, v16  }
0x119: {  	v31 =	vld.idx.msk [tilespmem:v31+s22+$0x0], $0xffff;
	v16 =	vadd.s32 v15, v16  }
0x11a: {  	v40 =	vadd.s32 v5, v32;
	v33 =	vld.idx.msk [tilespmem:v22+s22+$0x0], $0xffff  }
0x11b: {  	v56 =	vadd.s32 v6, v32;
	v42 =	vadd.f32 v18, v17;
	v17 =	vld.idx.msk [tilespmem:v36+s22+$0x0], $0xffff  }
0x11c: {  	v57 =	vadd.s32 v7, v32;
	v18 =	vld.idx.msk [tilespmem:v38+s22+$0x0], $0xffff  }
0x11d: {  	v22 =	vadd.s32 v0, v32;
	v37 =	vld.idx.msk [tilespmem:v21+s22+$0x0], $0xffff  }
0x11e: {  	v34 =	vadd.s32 v1, v32;
	v39 =	vld.idx.msk [tilespmem:v16+s22+$0x0], $0xffff  }
0x11f: {  	s28 =	simm.s32 $0x20;
	v35 =	vadd.s32 v2, v32;
	v43 =	vadd.f32 v20, v19;
	v19 =	vld.idx.msk [tilespmem:v40+s22+$0x0], $0xffff  }
0x120: {  	v41 =	vmov s28;
	v26 =	vadd.f32 v27, v26;
	v27 =	vadd.s32 v9, v32;
	v20 =	vld.idx.msk [tilespmem:v56+s22+$0x0], $0xffff  }
0x121: {  	v62 =	vmul.u32 $0x11, v41;
	v58 =	vadd.s32 v8, v32;
	v23 =	vadd.f32 v24, v23;
	v24 =	vld.idx.msk [tilespmem:v57+s22+$0x0], $0xffff  }
0x122: {  	v21 =	vld.idx.msk [tilespmem:v22+s22+$0x0], $0xffff;
	v25 =	vadd.f32 v28, v25;
	v28 =	vadd.f32 v29, v33;
	v29 =	vadd.s32 v10, v32  }
0x123: {  	v61 =	vadd.s32 v12, v32;
	v30 =	vadd.f32 v31, v30;
	v22 =	vld.idx.msk [tilespmem:v34+s22+$0x0], $0xffff;
	v31 =	vadd.f32 v39, v37  }
0x124: {  	v59 =	vadd.s32 v11, v32;
	v60 =	vadd.f32 v43, v42;
	v23 =	vadd.f32 v23, v26;
	v16 =	vld.idx.msk [tilespmem:v35+s22+$0x0], $0xffff  }
0x125: {  	v26 =	vld.idx.msk [tilespmem:v27+s22+$0x0], $0xffff;
	v28 =	vadd.f32 v28, v25;
	v30 =	vadd.f32 v31, v30;
	v31 =	vadd.s32 v13, v32  }
0x126: {  	v63 =	vadd.s32 v14, v32;
	v34 =	vadd.f32 v23, v60;
	v23 =	vbroadcast v62, $0x0;
	v25 =	vld.idx.msk [tilespmem:v58+s22+$0x0], $0xffff  }
0x127: {  	v35 =	vadd.s32 v15, v32;
	v27 =	vld.idx.msk [tilespmem:v29+s22+$0x0], $0xffff;
	v30 =	vadd.f32 v30, v28  }
0x128: {  	v36 =	vadd.s32 v0, v23;
	v29 =	vld.idx.msk [tilespmem:v61+s22+$0x0], $0xffff  }
0x129: {  	v33 =	vadd.s32 v1, v23;
	v28 =	vld.idx.msk [tilespmem:v59+s22+$0x0], $0xffff;
	v34 =	vadd.f32 v30, v34  }
0x12a: {  	v32 =	vadd.s32 v2, v23;
	v30 =	vld.idx.msk [tilespmem:v31+s22+$0x0], $0xffff  }
0x12b: {  	v31 =	vld.idx.msk [tilespmem:v63+s22+$0x0], $0xffff;
	[tilespmem:s26+$0x0] =	vst v34;
	v34 =	vadd.s32 v3, v23  }
.LBB2_9:
0x12c: {  	s28 =	sadd.s32 $0x10, s28;
	v37 =	vadd.s32 v4, v23;
	v35 =	vld.idx.msk [tilespmem:v35+s22+$0x0], $0xffff  }
0x12d: {  	v39 =	vadd.s32 v5, v23;
	v38 =	vmov s28;
	v36 =	vld.idx.msk [tilespmem:v36+s22+$0x0], $0xffff  }
0x12e: {  	v40 =	vadd.s32 v6, v23;
	v38 =	vmul.u32 $0x11, v38;
	v33 =	vld.idx.msk [tilespmem:v33+s22+$0x0], $0xffff  }
0x12f: {  	v41 =	vadd.s32 v7, v23;
	v21 =	vadd.f32 v22, v21;
	v22 =	vadd.f32 v17, v16;
	v16 =	vld.idx.msk [tilespmem:v32+s22+$0x0], $0xffff  }
0x130: {  	v24 =	vadd.f32 v24, v20;
	v32 =	vadd.s32 v8, v23;
	v17 =	vld.idx.msk [tilespmem:v34+s22+$0x0], $0xffff;
	v34 =	vadd.f32 v19, v18  }
0x131: {  	v25 =	vadd.f32 v26, v25;
	p1 =	slt.u32 s28, $0x70;
	v26 =	vadd.f32 v28, v27;
	v18 =	vld.idx.msk [tilespmem:v37+s22+$0x0], $0xffff;
	v37 =	vadd.s32 v9, v23  }
0x132: {  	v27 =	vadd.s32 v10, v23;
	v28 =	vadd.f32 v30, v29;
	v29 =	vadd.f32 v35, v31;
	v19 =	vld.idx.msk [tilespmem:v39+s22+$0x0], $0xffff  }
0x133: {  	v30 =	vadd.s32 v11, v23;
	v31 =	vadd.f32 v22, v21;
	v34 =	vadd.f32 v24, v34;
	v20 =	vld.idx.msk [tilespmem:v40+s22+$0x0], $0xffff  }
0x134: {  	v35 =	vadd.f32 v26, v25;
	v39 =	vadd.s32 v12, v23;
	v28 =	vadd.f32 v29, v28;
	v24 =	vld.idx.msk [tilespmem:v41+s22+$0x0], $0xffff  }
0x135: {  	v21 =	vmovc v36;
	v29 =	vbroadcast v38, $0x0;
	v38 =	vadd.s32 v13, v23;
	v22 =	vmov v33;
	v25 =	vld.idx.msk [tilespmem:v32+s22+$0x0], $0xffff  }
0x136: {  	v31 =	vadd.f32 v34, v31;
	v32 =	vadd.f32 v28, v35;
	v26 =	vld.idx.msk [tilespmem:v37+s22+$0x0], $0xffff;
	v37 =	vadd.s32 v14, v23  }
.Ltmp3:
0x137: {  	v35 =	vadd.s32 v15, v23;
	v23 =	vmov v29;
	v27 =	vld.idx.msk [tilespmem:v27+s22+$0x0], $0xffff;
	(pc) =	sbr.rel @p1 .LBB2_9-.Ltmp3, $4  }
0x138: {  	v36 =	vadd.s32 v0, v23;
	v31 =	vadd.f32 v32, v31;
	v28 =	vld.idx.msk [tilespmem:v30+s22+$0x0], $0xffff  }
0x139: {  	s26 =	sadd.s32 $0x10, s26;
	v33 =	vadd.s32 v1, v23;
	v29 =	vld.idx.msk [tilespmem:v39+s22+$0x0], $0xffff  }
0x13a: {  	v32 =	vadd.s32 v2, v23;
	v30 =	vld.idx.msk [tilespmem:v38+s22+$0x0], $0xffff;
	[tilespmem:s26+$0x0] =	vst v31  }
0x13b: {  	v34 =	vadd.s32 v3, v23;
	v31 =	vld.idx.msk [tilespmem:v37+s22+$0x0], $0xffff  }
0x13c: {  	_ =	sdelay $0x3  }
0x13d: {  	v37 =	vadd.s32 v4, v23;
	v35 =	vld.idx.msk [tilespmem:v35+s22+$0x0], $0xffff  }
0x13e: {  	v36 =	vld.idx.msk [tilespmem:v36+s22+$0x0], $0xffff;
	v38 =	vadd.s32 v5, v23  }
0x13f: {  	v33 =	vld.idx.msk [tilespmem:v33+s22+$0x0], $0xffff;
	v39 =	vadd.s32 v6, v23  }
0x140: {  	v32 =	vld.idx.msk [tilespmem:v32+s22+$0x0], $0xffff;
	v40 =	vadd.s32 v7, v23  }
0x141: {  	v34 =	vld.idx.msk [tilespmem:v34+s22+$0x0], $0xffff;
	v41 =	vadd.s32 v8, v23  }
0x142: {  	v42 =	vadd.s32 v9, v23;
	v37 =	vld.idx.msk [tilespmem:v37+s22+$0x0], $0xffff  }
0x143: {  	v43 =	vadd.s32 v10, v23;
	v38 =	vld.idx.msk [tilespmem:v38+s22+$0x0], $0xffff  }
0x144: {  	v44 =	vadd.s32 v11, v23;
	v39 =	vld.idx.msk [tilespmem:v39+s22+$0x0], $0xffff  }
0x145: {  	v45 =	vadd.s32 v12, v23;
	v40 =	vld.idx.msk [tilespmem:v40+s22+$0x0], $0xffff  }
0x146: {  	v46 =	vadd.s32 v13, v23;
	v41 =	vld.idx.msk [tilespmem:v41+s22+$0x0], $0xffff  }
0x147: {  	v47 =	vadd.s32 v14, v23;
	v42 =	vld.idx.msk [tilespmem:v42+s22+$0x0], $0xffff  }
0x148: {  	v62 =	vadd.s32 v15, v23;
	v43 =	vld.idx.msk [tilespmem:v43+s22+$0x0], $0xffff  }
0x149: {  	v21 =	vadd.f32 v22, v21;
	v16 =	vadd.f32 v17, v16;
	v17 =	vld.idx.msk [tilespmem:v44+s22+$0x0], $0xffff  }
0x14a: {  	v18 =	vadd.f32 v19, v18;
	v63 =	vadd.f32 v24, v20;
	v44 =	vld.idx.msk [tilespmem:v45+s22+$0x0], $0xffff  }
0x14b: {  	v48 =	vadd.f32 v28, v27;
	v16 =	vadd.f32 v16, v21;
	v49 =	vld.idx.msk [tilespmem:v46+s22+$0x0], $0xffff  }
0x14c: {  	v18 =	vadd.f32 v63, v18;
	v50 =	vadd.f32 v30, v29;
	v52 =	vld.idx.msk [tilespmem:v47+s22+$0x0], $0xffff  }
0x14d: {  	v45 =	vadd.f32 v26, v25;
	v51 =	vadd.f32 v35, v31;
	v53 =	vld.idx.msk [tilespmem:v62+s22+$0x0], $0xffff  }
0x14e: {  	v56 =	vadd.f32 v33, v36;
	v57 =	vadd.f32 v34, v32  }
0x14f: {  	v54 =	vadd.f32 v48, v45;
	v55 =	vadd.f32 v51, v50  }
0x150: {  	v58 =	vadd.f32 v38, v37;
	v59 =	vadd.f32 v40, v39  }
0x151: {  	v60 =	vadd.f32 v42, v41;
	v17 =	vadd.f32 v17, v43  }
0x152: {  	v20 =	vadd.f32 v49, v44;
	v19 =	vadd.f32 v53, v52  }
0x153: {  	v23 =	vadd.f32 v57, v56;
	v61 =	vadd.f32 v59, v58  }
0x154: {  	v17 =	vadd.f32 v17, v60;
	v19 =	vadd.f32 v19, v20  }
0x155: {  	v16 =	vadd.f32 v18, v16;
	v62 =	vadd.f32 v55, v54  }
0x156: {  	v63 =	vadd.f32 v61, v23;
	v17 =	vadd.f32 v19, v17  }
0x157: {  	v16 =	vadd.f32 v62, v16  }
0x158: {  	s26 =	sadd.s32 $0x10, s26;
	v17 =	vadd.f32 v17, v63  }
0x159: {  	[tilespmem:s26+$0x0] =	vst v16;
	s26 =	sadd.s32 $0x10, s26  }
0x15a: {  	[tilespmem:s26+$0x0] =	vst v17;
	s26 =	simm.s32 $0x1  }
0x15b: {  	_ =	swait.ge [sflag:s26], $0x4000  }
.Ltmp4:
0x15c: {  	[sflag:s26] =	ssyncset.done $0x0;
	(pc) =	sbr.rel @p0 .LBB2_2-.Ltmp4, $4  }
0x15d: {  	[sflag:s26] =	ssyncadd.s32 $0xFFFFC000  }
0x15e: {  	_ =	swait.ge [sflag:s15], $0x4000  }
0x15f: {  	[sflag:s15] =	ssyncset.done $0x0  }
0x160: {  	p1 =	por $0x0, $0x0;
	[sflag:s15] =	ssyncadd.s32 $0xFFFFC000  }
0x161: {  	s25 =	sadd.s32 $0x1, s25  }
0x162: {  	p0 =	sne.s32 s25, s10  }
.Ltmp5:
0x163: {  	_ = 	snop;
	(pc) =	sbr.rel @p0 .LBB2_1-.Ltmp5, $4  }
0x164: {  	[hbm4b:s9+s4] =	stream.linear.scatter [tilespmem:s23], [sflag:$0x5], $0x200, $0x38;
	[tilespmem:$0x10E80] =	vst v63  }
0x165: {  	_ =	swait.ge [sflag:s24], $0x200  }
0x166: {  	[sflag:s24] =	ssyncset.done $0x0  }
0x167: {  	[sflag:s24] =	ssyncadd.s32 $0xFFFFFE00  }
0x168: {  	_ =	sfence.sel $0x180000  }
0x169: {  	[bflag:$0x0] =	sbarrier.arrive $0xFFFF  }
0x16a: {  	p0 =	sne.s32 s3, $0x0;
	_ =	strace $0x90000047  }
0x16b: {  	s0 =	sadd.s32 @!p0 $0x100000, s0;
	[bflag:$0x2] =	sbarrier.arrive $0xFFFF  }
0x16c: {  	[sflag:s0] =	ssyncadd.tile.s32 @!p0 $0x1;
	_ =	shalt  }
.Lfunc_end2:
_tile_overlayer_lowered:
.L_overlay_start_2:
0x16d: {  	(tag) =	ssettag $0x2  }
0x16e: {  	s0 =	rddreg [dreg:$0x0];
	s2 =	stileid.u32  }
0x16f: {  	s1 =	rddreg [dreg:$0x1];
	p0 =	sne.s32 s2, $0x0  }
0x170: {  	s3 =	rddreg [dreg:$0x2];
	[bflag:$0x3] =	sbarrier.arrive $0xFFFF;
	s2 =	simm.s32 @!p0 $0x1C05  }
0x171: {  	[timem:s3], [sflag:s2] =	dma.local @!p0 [hbm:s0], s1  }
0x172: {  	s0 =	simm.s32 @!p0 $0x5  }
0x173: {  	_ =	swait.ge @!p0 [sflag:s0], s1  }
0x174: {  	s1 =	ssub.s32 @!p0 $0x0, s1;
	[sflag:s0] =	ssyncset.done @!p0 $0x0  }
0x175: {  	[sflag:s0] =	ssyncadd.s32 @!p0 s1  }
0x176: {  	[bflag:$0x3] =	sbarrier.arrive $0xFFFF  }
0x177: {  	_ =	shalt  }

</sc_bundles>
